<compile_context>
chip_gen: v7x
topology: tpu7x:2x2x1
jax: 0.10.2.dev20260603
libtpu: 0.0.44.dev20260713+nightly
codegen_flags: <defaults>
</compile_context>

<pallas_src>
import functools

import numpy as np
import jax
import jax.numpy as jnp
from jax import lax
from jax.experimental import pallas as pl
from jax.experimental.pallas import tpu as pltpu
from jax.experimental.pallas import tpu_sc as plsc

NC = 2
NS = 16
NW = NC * NS
CHUNK = 128



def _sc_degree(dst3, ones_d, zeros_d, np_):
    kch = dst3.shape[1]
    d = ones_d.shape[1]
    stripe = np_ // NS
    mesh = plsc.VectorSubcoreMesh(core_axis_name="c", subcore_axis_name="s")

    @functools.partial(
        pl.kernel,
        out_type=jax.ShapeDtypeStruct((NC, np_, d), ones_d.dtype),
        mesh=mesh,
        scratch_types=[
            pltpu.VMEM((kch, CHUNK), jnp.int32),
            pltpu.VMEM((CHUNK, d), ones_d.dtype),
            pltpu.VMEM_SHARED((np_, d), ones_d.dtype),
        ],
    )
    def deg_kernel(dst_hbm, ones_hbm, zeros_hbm, out_hbm, dst_v, ones_v, acc):
        c = lax.axis_index("c")
        s = lax.axis_index("s")
        w = c * NS + s
        pltpu.sync_copy(zeros_hbm.at[pl.ds(s * stripe, stripe)],
                        acc.at[pl.ds(s * stripe, stripe)])
        pltpu.sync_copy(dst_hbm.at[w], dst_v)
        pltpu.sync_copy(ones_hbm, ones_v)
        plsc.subcore_barrier()

        def body(k, carry):
            pltpu.sync_copy(ones_v, acc.at[dst_v.at[k]], add=True)
            return carry

        lax.fori_loop(0, kch, body, 0)
        plsc.subcore_barrier()
        pltpu.sync_copy(acc.at[pl.ds(s * stripe, stripe)],
                        out_hbm.at[c, pl.ds(s * stripe, stripe)])

    return deg_kernel(dst3, ones_d, zeros_d)


GI = 16


def _sc_aggregate(src3, dst3, table, zeros_d, np_):
    kch = src3.shape[1]
    d = table.shape[1]
    stripe = np_ // NS
    ng = kch // GI
    mesh = plsc.VectorSubcoreMesh(core_axis_name="c", subcore_axis_name="s")

    @functools.partial(
        pl.kernel,
        out_type=jax.ShapeDtypeStruct((NC, np_, d), jnp.float32),
        mesh=mesh,
        scratch_types=[
            pltpu.VMEM((2, GI, CHUNK), jnp.int32),
            pltpu.VMEM((2, GI, CHUNK), jnp.int32),
            pltpu.VMEM((2, CHUNK, d), jnp.float32),
            pltpu.VMEM_SHARED((np_, d), jnp.float32),
            pltpu.SemaphoreType.DMA((2,)),
            pltpu.SemaphoreType.DMA,
            pltpu.SemaphoreType.DMA,
        ],
    )
    def agg_kernel(src_hbm, dst_hbm, tab_hbm, zeros_hbm, out_hbm,
                   src_v, dst_v, rows_v, acc, gsem, issem, idsem):
        c = lax.axis_index("c")
        s = lax.axis_index("s")
        w = c * NS + s
        pltpu.sync_copy(zeros_hbm.at[pl.ds(s * stripe, stripe)],
                        acc.at[pl.ds(s * stripe, stripe)])
        pltpu.sync_copy(src_hbm.at[w, pl.ds(0, GI)], src_v.at[0])
        pltpu.sync_copy(dst_hbm.at[w, pl.ds(0, GI)], dst_v.at[0])
        plsc.subcore_barrier()

        def group(g, carry):
            gs = lax.rem(g, 2)

            @pl.when(g > 0)
            def _():
                pltpu.make_async_copy(src_hbm.at[w, pl.ds(g * GI, GI)],
                                      src_v.at[gs], issem).wait()
                pltpu.make_async_copy(dst_hbm.at[w, pl.ds(g * GI, GI)],
                                      dst_v.at[gs], idsem).wait()

            @pl.when(g + 1 < ng)
            def _():
                gn = lax.rem(g + 1, 2)
                pltpu.async_copy(src_hbm.at[w, pl.ds((g + 1) * GI, GI)],
                                 src_v.at[gn], issem)
                pltpu.async_copy(dst_hbm.at[w, pl.ds((g + 1) * GI, GI)],
                                 dst_v.at[gn], idsem)

            for b in range(2):
                pltpu.async_copy(tab_hbm.at[src_v.at[gs, b]], rows_v.at[b],
                                 gsem.at[b])

            def pair(j2, carry):
                for b in range(2):
                    j = j2 * 2 + b
                    pltpu.make_async_copy(tab_hbm.at[src_v.at[gs, j]],
                                          rows_v.at[b], gsem.at[b]).wait()
                    pltpu.sync_copy(rows_v.at[b], acc.at[dst_v.at[gs, j]],
                                    add=True)

                    @pl.when(j2 < GI // 2 - 1)
                    def _():
                        pltpu.async_copy(tab_hbm.at[src_v.at[gs, j + 2]],
                                         rows_v.at[b], gsem.at[b])
                return carry

            lax.fori_loop(0, GI // 2, pair, 0)
            return carry

        lax.fori_loop(0, ng, group, 0)
        plsc.subcore_barrier()
        pltpu.sync_copy(acc.at[pl.ds(s * stripe, stripe)],
                        out_hbm.at[c, pl.ds(s * stripe, stripe)])

    return agg_kernel(src3, dst3, table, zeros_d)



def _dis(deg_ref):
    d0 = deg_ref[0, :, 0:1].astype(jnp.float32)
    d1 = deg_ref[1, :, 0:1].astype(jnp.float32)
    return lax.rsqrt(d0 + d1 + 1.0)


def _scale_body(deg_ref, x_ref, u_ref):
    u_ref[...] = x_ref[...] * _dis(deg_ref)


def _mid_body(deg_ref, agg_ref, u_ref, w1_ref, b1_ref, w2_ref, v_ref):
    r = _dis(deg_ref)
    a = (agg_ref[0] + agg_ref[1] + u_ref[...]) * r
    z = lax.dot_general(a, w1_ref[...], (((1,), (0,)), ((), ())),
                        preferred_element_type=jnp.float32) + b1_ref[...]
    z = jnp.maximum(z, 0.0)
    h2 = lax.dot_general(z, w2_ref[...], (((1,), (0,)), ((), ())),
                         preferred_element_type=jnp.float32)
    v_ref[...] = h2 * r


def _out_body(deg_ref, agg_ref, v_ref, b2_ref, o_ref):
    y = (agg_ref[0] + agg_ref[1] + v_ref[...]) * _dis(deg_ref) + b2_ref[...]
    m = jnp.max(y, axis=1, keepdims=True)
    e = jnp.exp(y - m)
    o_ref[...] = y - m - jnp.log(jnp.sum(e, axis=1, keepdims=True))


def _tc_scale(deg, x, bn):
    n, d = x.shape
    return pl.pallas_call(
        _scale_body,
        grid=(n // bn,),
        in_specs=[pl.BlockSpec((NC, bn, 128), lambda i: (0, i, 0)),
                  pl.BlockSpec((bn, d), lambda i: (i, 0))],
        out_specs=pl.BlockSpec((bn, d), lambda i: (i, 0)),
        out_shape=jax.ShapeDtypeStruct((n, d), jnp.float32),
    )(deg, x)


def _tc_mid(deg, agg, u, w1, b1, w2, bn):
    n, d_in = u.shape
    d_hid, d_out2 = w2.shape
    return pl.pallas_call(
        _mid_body,
        grid=(n // bn,),
        in_specs=[pl.BlockSpec((NC, bn, 128), lambda i: (0, i, 0)),
                  pl.BlockSpec((NC, bn, d_in), lambda i: (0, i, 0)),
                  pl.BlockSpec((bn, d_in), lambda i: (i, 0)),
                  pl.BlockSpec(w1.shape, lambda i: (0, 0)),
                  pl.BlockSpec(b1.shape, lambda i: (0, 0)),
                  pl.BlockSpec(w2.shape, lambda i: (0, 0))],
        out_specs=pl.BlockSpec((bn, d_out2), lambda i: (i, 0)),
        out_shape=jax.ShapeDtypeStruct((n, d_out2), jnp.float32),
    )(deg, agg, u, w1, b1, w2)


def _tc_out(deg, agg, v, b2, bn):
    n, d = v.shape
    return pl.pallas_call(
        _out_body,
        grid=(n // bn,),
        in_specs=[pl.BlockSpec((NC, bn, 128), lambda i: (0, i, 0)),
                  pl.BlockSpec((NC, bn, d), lambda i: (0, i, 0)),
                  pl.BlockSpec((bn, d), lambda i: (i, 0)),
                  pl.BlockSpec(b2.shape, lambda i: (0, 0))],
        out_specs=pl.BlockSpec((bn, d), lambda i: (i, 0)),
        out_shape=jax.ShapeDtypeStruct((n, d), jnp.float32),
    )(deg, agg, v, b2)



def kernel(x, edge_index, W1, b1, W2, b2):
    n = x.shape[0]
    e = edge_index.shape[1]
    np_ = ((n + 1 + 8 * NS - 1) // (8 * NS)) * (8 * NS)
    grain = NW * CHUNK * GI
    ep = ((e + grain - 1) // grain) * grain
    kch = ep // (NW * CHUNK)

    pad = ep - e
    pad_ar = np.arange(pad, dtype=np.int32)
    pad_src = jnp.asarray(pad_ar * 37 % n)
    pad_dst = jnp.asarray(n + pad_ar % (np_ - n))
    src = jnp.concatenate([edge_index[0], pad_src]).reshape(NW, kch, CHUNK)
    dst = jnp.concatenate([edge_index[1], pad_dst]).reshape(NW, kch, CHUNK)

    ones_d = jnp.ones((CHUNK, x.shape[1]), jnp.float32)
    zeros_d = jnp.zeros((np_, x.shape[1]), jnp.float32)

    bn = 1000 if n % 1000 == 0 else 8 * (n // 8)

    deg = _sc_degree(dst, ones_d, zeros_d, np_)
    u = _tc_scale(deg, x, bn)
    agg1 = _sc_aggregate(src, dst, u, zeros_d, np_)
    v = _tc_mid(deg, agg1, u, W1, b1.reshape(1, -1), W2, bn)
    agg2 = _sc_aggregate(src, dst, v, zeros_d, np_)
    return _tc_out(deg, agg2, v, b2.reshape(1, -1), bn)

# --- scband reference (transcript-rebuilt; emitter-appended) ---
"""Pipeline reference for scband-gcn-44684839747704 (READ-ONLY COPY).

The authoritative reference and input builder live on the scoring server;
editing this copy changes nothing except your own understanding.
"""

import jax, jax.numpy as jnp
import numpy as np

N = 10000
E = 320000
D_IN = 128
D_HID = 256
D_OUT = 128


def gcn_conv(x, edge_index, W, b):
    # Faithful PyG GCNConv: add self loops, symmetric normalization, scatter-add aggregation
    n = x.shape[0]
    loop = jnp.arange(n, dtype=edge_index.dtype)
    src = jnp.concatenate([edge_index[0], loop])
    dst = jnp.concatenate([edge_index[1], loop])
    ones = jnp.ones(src.shape[0], dtype=x.dtype)
    deg = jnp.zeros(n, dtype=x.dtype).at[dst].add(ones)
    deg_inv_sqrt = jnp.where(deg > 0, 1.0 / jnp.sqrt(deg), 0.0)
    norm = deg_inv_sqrt[src] * deg_inv_sqrt[dst]
    h = x @ W                              # dense transform
    msg = h[src] * norm[:, None]           # gather
    out = jnp.zeros((n, W.shape[1]), dtype=x.dtype).at[dst].add(msg)  # scatter-add
    return out + b


def setup_inputs(seed: int = 0) -> dict:
    key = jax.random.key(seed)
    k0, k1, k2, k3, k4, k5 = jax.random.split(key, 6)
    x = jax.random.normal(k0, (N, D_IN), dtype=jnp.float32)
    edge_index = jax.random.randint(k1, (2, E), 0, N, dtype=jnp.int32)
    W1 = jax.random.normal(k2, (D_IN, D_HID), dtype=jnp.float32) * (1.0 / np.sqrt(D_IN))
    b1 = jnp.zeros((D_HID,), dtype=jnp.float32)
    W2 = jax.random.normal(k3, (D_HID, D_OUT), dtype=jnp.float32) * (1.0 / np.sqrt(D_HID))
    b2 = jnp.zeros((D_OUT,), dtype=jnp.float32)
    return {"x": x, "edge_index": edge_index, "W1": W1, "b1": b1, "W2": W2, "b2": b2}


def reference(x, edge_index, W1, b1, W2, b2):
    h = gcn_conv(x, edge_index, W1, b1)   # hidden GCNConv
    h = jax.nn.relu(h)                    # act (dropout=0.0 -> identity)
    h = gcn_conv(h, edge_index, W2, b2)   # head GCNConv
    return jax.nn.log_softmax(h, axis=1)

if __name__ == "__main__":
    import jax
    _d = setup_inputs()
    print(jax.jit(kernel)(*tuple(_d.values())))

</pallas_src>

<mosaic_0001>
#map = affine_map<(d0, d1) -> (0, 0, 0)>
#map1 = affine_map<(d0, d1) -> (0, 0)>
module attributes {stable_mosaic.version = 14 : i64} {
  func.func @deg_kernel(%arg0: i32, %arg1: i32, %arg2: memref<32x80x128xi32, #tpu.memory_space<hbm>>, %arg3: memref<128x128xf32, #tpu.memory_space<hbm>>, %arg4: memref<10112x128xf32, #tpu.memory_space<hbm>>, %arg5: memref<2x10112x128xf32, #tpu.memory_space<hbm>>, %arg6: memref<80x128xi32, #tpu.memory_space<vmem>>, %arg7: memref<128x128xf32, #tpu.memory_space<vmem>>, %arg8: memref<10112x128xf32, #tpu.memory_space<vmem_shared>>) attributes {dimension_semantics = [#tpu.dimension_semantics<core_parallel>, #tpu.dimension_semantics<subcore_parallel>], iteration_bounds = array<i64: 2, 16>, scalar_prefetch = 0 : i64, scratch_operands = 3 : i64, tpu.core_type = #tpu.core_type<sc_vector_subcore>, window_params = [{transform_indices = #map}, {transform_indices = #map1}, {transform_indices = #map1}, {transform_indices = #map}]} {
    %mul3A = arith.constant 16 : i32
    %mul3A_0 = arith.muli %arg0, %mul3A : i32
    %add3A = arith.addi %mul3A_0, %arg1 : i32
    %mul3A_1 = arith.constant 632 : i32
    %mul3A_2 = arith.muli %arg1, %mul3A_1 : i32
    %mul3A_3 = arith.constant 632 : i32
    %mul3A_4 = arith.muli %arg1, %mul3A_3 : i32
    "tpu.region"() ({
      %run_scoped3A = tpu.sem_alloc : memref<!tpu.dma_semaphore, #tpu.memory_space<semaphore_mem>>
      %dma_start3A = arith.constant 0 : i32
      %dma_start3A_15 = tpu.memref_slice %arg8[%mul3A_4, %dma_start3A] : memref<10112x128xf32, #tpu.memory_space<vmem_shared>> -> memref<632x128xf32, #tpu.memory_space<vmem_shared>>
      %dma_start3A_16 = arith.constant 0 : i32
      %dma_start3A_17 = tpu.memref_slice %arg4[%mul3A_2, %dma_start3A_16] : memref<10112x128xf32, #tpu.memory_space<hbm>> -> memref<632x128xf32, #tpu.memory_space<hbm>>
      tpu.enqueue_dma source(%dma_start3A_17 : memref<632x128xf32, #tpu.memory_space<hbm>>) target(%dma_start3A_15 : memref<632x128xf32, #tpu.memory_space<vmem_shared>>) target_semaphore(%run_scoped3A : memref<!tpu.dma_semaphore, #tpu.memory_space<semaphore_mem>>)
      %dma_wait3A = arith.constant 0 : i32
      %dma_wait3A_18 = tpu.memref_slice %arg8[%mul3A_4, %dma_wait3A] : memref<10112x128xf32, #tpu.memory_space<vmem_shared>> -> memref<632x128xf32, #tpu.memory_space<vmem_shared>>
      %dma_wait3A_19 = arith.constant 0 : i32
      %dma_wait3A_20 = tpu.memref_slice %arg4[%mul3A_2, %dma_wait3A_19] : memref<10112x128xf32, #tpu.memory_space<hbm>> -> memref<632x128xf32, #tpu.memory_space<hbm>>
      tpu.wait_dma2 semaphore(%run_scoped3A : memref<!tpu.dma_semaphore, #tpu.memory_space<semaphore_mem>>) src(%dma_wait3A_20 : memref<632x128xf32, #tpu.memory_space<hbm>>) dst(%dma_wait3A_18 : memref<632x128xf32, #tpu.memory_space<vmem_shared>>)
      tpu.yield
    }) : () -> ()
    "tpu.region"() ({
      %run_scoped3A = tpu.sem_alloc : memref<!tpu.dma_semaphore, #tpu.memory_space<semaphore_mem>>
      %dma_start3A = arith.constant 0 : i32
      %dma_start3A_15 = arith.constant 0 : i32
      %dma_start3A_16 = tpu.memref_slice %arg2[%add3A, %dma_start3A, %dma_start3A_15] : memref<32x80x128xi32, #tpu.memory_space<hbm>> -> memref<1x80x128xi32, #tpu.memory_space<hbm>>
      %dma_start3A_17 = tpu.memref_squeeze %dma_start3A_16 : memref<1x80x128xi32, #tpu.memory_space<hbm>> -> memref<80x128xi32, #tpu.memory_space<hbm>>
      %dma_start3A_18 = arith.constant 0 : i32
      %dma_start3A_19 = arith.constant 0 : i32
      %dma_start3A_20 = tpu.memref_slice %arg2[%add3A, %dma_start3A_18, %dma_start3A_19] : memref<32x80x128xi32, #tpu.memory_space<hbm>> -> memref<1x80x128xi32, #tpu.memory_space<hbm>>
      %dma_start3A_21 = tpu.memref_squeeze %dma_start3A_20 : memref<1x80x128xi32, #tpu.memory_space<hbm>> -> memref<80x128xi32, #tpu.memory_space<hbm>>
      tpu.enqueue_dma source(%dma_start3A_21 : memref<80x128xi32, #tpu.memory_space<hbm>>) target(%arg6 : memref<80x128xi32, #tpu.memory_space<vmem>>) target_semaphore(%run_scoped3A : memref<!tpu.dma_semaphore, #tpu.memory_space<semaphore_mem>>)
      %dma_wait3A = arith.constant 0 : i32
      %dma_wait3A_22 = arith.constant 0 : i32
      %dma_wait3A_23 = tpu.memref_slice %arg2[%add3A, %dma_wait3A, %dma_wait3A_22] : memref<32x80x128xi32, #tpu.memory_space<hbm>> -> memref<1x80x128xi32, #tpu.memory_space<hbm>>
      %dma_wait3A_24 = tpu.memref_squeeze %dma_wait3A_23 : memref<1x80x128xi32, #tpu.memory_space<hbm>> -> memref<80x128xi32, #tpu.memory_space<hbm>>
      %dma_wait3A_25 = arith.constant 0 : i32
      %dma_wait3A_26 = arith.constant 0 : i32
      %dma_wait3A_27 = tpu.memref_slice %arg2[%add3A, %dma_wait3A_25, %dma_wait3A_26] : memref<32x80x128xi32, #tpu.memory_space<hbm>> -> memref<1x80x128xi32, #tpu.memory_space<hbm>>
      %dma_wait3A_28 = tpu.memref_squeeze %dma_wait3A_27 : memref<1x80x128xi32, #tpu.memory_space<hbm>> -> memref<80x128xi32, #tpu.memory_space<hbm>>
      tpu.wait_dma2 semaphore(%run_scoped3A : memref<!tpu.dma_semaphore, #tpu.memory_space<semaphore_mem>>) src(%dma_wait3A_28 : memref<80x128xi32, #tpu.memory_space<hbm>>) dst(%arg6 : memref<80x128xi32, #tpu.memory_space<vmem>>)
      tpu.yield
    }) : () -> ()
    "tpu.region"() ({
      %run_scoped3A = tpu.sem_alloc : memref<!tpu.dma_semaphore, #tpu.memory_space<semaphore_mem>>
      tpu.enqueue_dma source(%arg3 : memref<128x128xf32, #tpu.memory_space<hbm>>) target(%arg7 : memref<128x128xf32, #tpu.memory_space<vmem>>) target_semaphore(%run_scoped3A : memref<!tpu.dma_semaphore, #tpu.memory_space<semaphore_mem>>)
      tpu.wait_dma2 semaphore(%run_scoped3A : memref<!tpu.dma_semaphore, #tpu.memory_space<semaphore_mem>>) src(%arg3 : memref<128x128xf32, #tpu.memory_space<hbm>>) dst(%arg7 : memref<128x128xf32, #tpu.memory_space<vmem>>)
      tpu.yield
    }) : () -> ()
    %barrier3A = arith.constant 0 : index
    tpu.barrier barrier_id(%barrier3A)
    %scan3A = arith.constant 0 : i32
    %scan3A_5 = arith.constant 0 : i32
    %scan3A_6 = arith.constant 80 : i32
    %scan3A_7 = arith.addi %scan3A_5, %scan3A_6 : i32
    %scan3A_8 = arith.constant 1 : i32
    scf.for %scan3A_15 = %scan3A_5 to %scan3A_7 step %scan3A_8  : i32 {
      "tpu.region"() ({
        %run_scoped3A = tpu.sem_alloc : memref<!tpu.dma_semaphore, #tpu.memory_space<semaphore_mem>>
        %dma_start3A = arith.constant 0 : i32
        %dma_start3A_16 = tpu.memref_slice %arg6[%scan3A_15, %dma_start3A] : memref<80x128xi32, #tpu.memory_space<vmem>> -> memref<1x128xi32, #tpu.memory_space<vmem>>
        %dma_start3A_17 = tpu.memref_squeeze %dma_start3A_16 : memref<1x128xi32, #tpu.memory_space<vmem>> -> memref<128xi32, #tpu.memory_space<vmem>>
        %dma_start3A_18 = arith.constant 0 : i32
        %dma_start3A_19 = arith.constant 0 : i32
        %dma_start3A_20 = tpu.memref_slice %arg8[%dma_start3A_18, %dma_start3A_19] : memref<10112x128xf32, #tpu.memory_space<vmem_shared>> -> memref<10112x128xf32, #tpu.memory_space<vmem_shared>>
        tpu.enqueue_indirect_dma source(%arg7 : memref<128x128xf32, #tpu.memory_space<vmem>>) target(%dma_start3A_20 : memref<10112x128xf32, #tpu.memory_space<vmem_shared>>) offsets(%dma_start3A_17 : memref<128xi32, #tpu.memory_space<vmem>>) semaphore(%run_scoped3A : memref<!tpu.dma_semaphore, #tpu.memory_space<semaphore_mem>>) {add = true}
        %dma_wait3A = arith.constant 0 : i32
        %dma_wait3A_21 = tpu.memref_slice %arg6[%scan3A_15, %dma_wait3A] : memref<80x128xi32, #tpu.memory_space<vmem>> -> memref<1x128xi32, #tpu.memory_space<vmem>>
        %dma_wait3A_22 = tpu.memref_squeeze %dma_wait3A_21 : memref<1x128xi32, #tpu.memory_space<vmem>> -> memref<128xi32, #tpu.memory_space<vmem>>
        %dma_wait3A_23 = arith.constant 0 : i32
        %dma_wait3A_24 = arith.constant 0 : i32
        %dma_wait3A_25 = tpu.memref_slice %arg8[%dma_wait3A_23, %dma_wait3A_24] : memref<10112x128xf32, #tpu.memory_space<vmem_shared>> -> memref<10112x128xf32, #tpu.memory_space<vmem_shared>>
        tpu.wait_indirect_dma semaphore(%run_scoped3A : memref<!tpu.dma_semaphore, #tpu.memory_space<semaphore_mem>>) src(%arg7 : memref<128x128xf32, #tpu.memory_space<vmem>>) dst(%dma_wait3A_25 : memref<10112x128xf32, #tpu.memory_space<vmem_shared>>)
        tpu.yield
      }) : () -> ()
    }
    %scan3A_9 = arith.constant 80 : i32
    %barrier3A_10 = arith.constant 0 : index
    tpu.barrier barrier_id(%barrier3A_10)
    %mul3A_11 = arith.constant 632 : i32
    %mul3A_12 = arith.muli %arg1, %mul3A_11 : i32
    %mul3A_13 = arith.constant 632 : i32
    %mul3A_14 = arith.muli %arg1, %mul3A_13 : i32
    "tpu.region"() ({
      %run_scoped3A = tpu.sem_alloc : memref<!tpu.dma_semaphore, #tpu.memory_space<semaphore_mem>>
      %dma_start3A = arith.constant 0 : i32
      %dma_start3A_15 = tpu.memref_slice %arg5[%arg0, %mul3A_14, %dma_start3A] : memref<2x10112x128xf32, #tpu.memory_space<hbm>> -> memref<1x632x128xf32, #tpu.memory_space<hbm>>
      %dma_start3A_16 = tpu.memref_squeeze %dma_start3A_15 : memref<1x632x128xf32, #tpu.memory_space<hbm>> -> memref<632x128xf32, #tpu.memory_space<hbm>>
      %dma_start3A_17 = arith.constant 0 : i32
      %dma_start3A_18 = tpu.memref_slice %arg8[%mul3A_12, %dma_start3A_17] : memref<10112x128xf32, #tpu.memory_space<vmem_shared>> -> memref<632x128xf32, #tpu.memory_space<vmem_shared>>
      tpu.enqueue_dma source(%dma_start3A_18 : memref<632x128xf32, #tpu.memory_space<vmem_shared>>) target(%dma_start3A_16 : memref<632x128xf32, #tpu.memory_space<hbm>>) target_semaphore(%run_scoped3A : memref<!tpu.dma_semaphore, #tpu.memory_space<semaphore_mem>>)
      %dma_wait3A = arith.constant 0 : i32
      %dma_wait3A_19 = tpu.memref_slice %arg5[%arg0, %mul3A_14, %dma_wait3A] : memref<2x10112x128xf32, #tpu.memory_space<hbm>> -> memref<1x632x128xf32, #tpu.memory_space<hbm>>
      %dma_wait3A_20 = tpu.memref_squeeze %dma_wait3A_19 : memref<1x632x128xf32, #tpu.memory_space<hbm>> -> memref<632x128xf32, #tpu.memory_space<hbm>>
      %dma_wait3A_21 = arith.constant 0 : i32
      %dma_wait3A_22 = tpu.memref_slice %arg8[%mul3A_12, %dma_wait3A_21] : memref<10112x128xf32, #tpu.memory_space<vmem_shared>> -> memref<632x128xf32, #tpu.memory_space<vmem_shared>>
      tpu.wait_dma2 semaphore(%run_scoped3A : memref<!tpu.dma_semaphore, #tpu.memory_space<semaphore_mem>>) src(%dma_wait3A_22 : memref<632x128xf32, #tpu.memory_space<vmem_shared>>) dst(%dma_wait3A_20 : memref<632x128xf32, #tpu.memory_space<hbm>>)
      tpu.yield
    }) : () -> ()
    return
  }
}

#map = affine_map<(d0, d1) -> (0, 0, 0)>
#map1 = affine_map<(d0, d1) -> (0, 0)>
module attributes {stable_mosaic.version = 14 : i64} {
  func.func @agg_kernel(%arg0: i32, %arg1: i32, %arg2: memref<32x80x128xi32, #tpu.memory_space<hbm>>, %arg3: memref<32x80x128xi32, #tpu.memory_space<hbm>>, %arg4: memref<10000x128xf32, #tpu.memory_space<hbm>>, %arg5: memref<10112x128xf32, #tpu.memory_space<hbm>>, %arg6: memref<2x10112x128xf32, #tpu.memory_space<hbm>>, %arg7: memref<2x16x128xi32, #tpu.memory_space<vmem>>, %arg8: memref<2x16x128xi32, #tpu.memory_space<vmem>>, %arg9: memref<2x128x128xf32, #tpu.memory_space<vmem>>, %arg10: memref<10112x128xf32, #tpu.memory_space<vmem_shared>>, %arg11: memref<2x!tpu.dma_semaphore, #tpu.memory_space<semaphore_mem>>, %arg12: memref<!tpu.dma_semaphore, #tpu.memory_space<semaphore_mem>>, %arg13: memref<!tpu.dma_semaphore, #tpu.memory_space<semaphore_mem>>) attributes {dimension_semantics = [#tpu.dimension_semantics<core_parallel>, #tpu.dimension_semantics<subcore_parallel>], iteration_bounds = array<i64: 2, 16>, scalar_prefetch = 0 : i64, scratch_operands = 7 : i64, tpu.core_type = #tpu.core_type<sc_vector_subcore>, window_params = [{transform_indices = #map}, {transform_indices = #map}, {transform_indices = #map1}, {transform_indices = #map1}, {transform_indices = #map}]} {
    %mul3A = arith.constant 16 : i32
    %mul3A_0 = arith.muli %arg0, %mul3A : i32
    %add3A = arith.addi %mul3A_0, %arg1 : i32
    %mul3A_1 = arith.constant 632 : i32
    %mul3A_2 = arith.muli %arg1, %mul3A_1 : i32
    %mul3A_3 = arith.constant 632 : i32
    %mul3A_4 = arith.muli %arg1, %mul3A_3 : i32
    "tpu.region"() ({
      %run_scoped3A_16 = tpu.sem_alloc : memref<!tpu.dma_semaphore, #tpu.memory_space<semaphore_mem>>
      %dma_start3A = arith.constant 0 : i32
      %dma_start3A_17 = tpu.memref_slice %arg10[%mul3A_4, %dma_start3A] : memref<10112x128xf32, #tpu.memory_space<vmem_shared>> -> memref<632x128xf32, #tpu.memory_space<vmem_shared>>
      %dma_start3A_18 = arith.constant 0 : i32
      %dma_start3A_19 = tpu.memref_slice %arg5[%mul3A_2, %dma_start3A_18] : memref<10112x128xf32, #tpu.memory_space<hbm>> -> memref<632x128xf32, #tpu.memory_space<hbm>>
      tpu.enqueue_dma source(%dma_start3A_19 : memref<632x128xf32, #tpu.memory_space<hbm>>) target(%dma_start3A_17 : memref<632x128xf32, #tpu.memory_space<vmem_shared>>) target_semaphore(%run_scoped3A_16 : memref<!tpu.dma_semaphore, #tpu.memory_space<semaphore_mem>>)
      %dma_wait3A = arith.constant 0 : i32
      %dma_wait3A_20 = tpu.memref_slice %arg10[%mul3A_4, %dma_wait3A] : memref<10112x128xf32, #tpu.memory_space<vmem_shared>> -> memref<632x128xf32, #tpu.memory_space<vmem_shared>>
      %dma_wait3A_21 = arith.constant 0 : i32
      %dma_wait3A_22 = tpu.memref_slice %arg5[%mul3A_2, %dma_wait3A_21] : memref<10112x128xf32, #tpu.memory_space<hbm>> -> memref<632x128xf32, #tpu.memory_space<hbm>>
      tpu.wait_dma2 semaphore(%run_scoped3A_16 : memref<!tpu.dma_semaphore, #tpu.memory_space<semaphore_mem>>) src(%dma_wait3A_22 : memref<632x128xf32, #tpu.memory_space<hbm>>) dst(%dma_wait3A_20 : memref<632x128xf32, #tpu.memory_space<vmem_shared>>)
      tpu.yield
    }) : () -> ()
    %run_scoped3A = arith.constant 0 : i32
    "tpu.region"() ({
      %run_scoped3A_16 = tpu.sem_alloc : memref<!tpu.dma_semaphore, #tpu.memory_space<semaphore_mem>>
      %dma_start3A = arith.constant 0 : i32
      %dma_start3A_17 = arith.constant 0 : i32
      %dma_start3A_18 = tpu.memref_slice %arg7[%run_scoped3A, %dma_start3A, %dma_start3A_17] : memref<2x16x128xi32, #tpu.memory_space<vmem>> -> memref<1x16x128xi32, #tpu.memory_space<vmem>>
      %dma_start3A_19 = tpu.memref_squeeze %dma_start3A_18 : memref<1x16x128xi32, #tpu.memory_space<vmem>> -> memref<16x128xi32, #tpu.memory_space<vmem>>
      %dma_start3A_20 = arith.constant 0 : i32
      %dma_start3A_21 = arith.constant 0 : i32
      %dma_start3A_22 = tpu.memref_slice %arg2[%add3A, %dma_start3A_20, %dma_start3A_21] : memref<32x80x128xi32, #tpu.memory_space<hbm>> -> memref<1x16x128xi32, #tpu.memory_space<hbm>>
      %dma_start3A_23 = tpu.memref_squeeze %dma_start3A_22 : memref<1x16x128xi32, #tpu.memory_space<hbm>> -> memref<16x128xi32, #tpu.memory_space<hbm>>
      %dma_start3A_24 = arith.constant 0 : i32
      %dma_start3A_25 = arith.constant 0 : i32
      %dma_start3A_26 = tpu.memref_slice %arg7[%run_scoped3A, %dma_start3A_24, %dma_start3A_25] : memref<2x16x128xi32, #tpu.memory_space<vmem>> -> memref<1x16x128xi32, #tpu.memory_space<vmem>>
      %dma_start3A_27 = tpu.memref_squeeze %dma_start3A_26 : memref<1x16x128xi32, #tpu.memory_space<vmem>> -> memref<16x128xi32, #tpu.memory_space<vmem>>
      %dma_start3A_28 = arith.constant 0 : i32
      %dma_start3A_29 = arith.constant 0 : i32
      %dma_start3A_30 = tpu.memref_slice %arg2[%add3A, %dma_start3A_28, %dma_start3A_29] : memref<32x80x128xi32, #tpu.memory_space<hbm>> -> memref<1x16x128xi32, #tpu.memory_space<hbm>>
      %dma_start3A_31 = tpu.memref_squeeze %dma_start3A_30 : memref<1x16x128xi32, #tpu.memory_space<hbm>> -> memref<16x128xi32, #tpu.memory_space<hbm>>
      tpu.enqueue_dma source(%dma_start3A_31 : memref<16x128xi32, #tpu.memory_space<hbm>>) target(%dma_start3A_27 : memref<16x128xi32, #tpu.memory_space<vmem>>) target_semaphore(%run_scoped3A_16 : memref<!tpu.dma_semaphore, #tpu.memory_space<semaphore_mem>>)
      %dma_wait3A = arith.constant 0 : i32
      %dma_wait3A_32 = arith.constant 0 : i32
      %dma_wait3A_33 = tpu.memref_slice %arg7[%run_scoped3A, %dma_wait3A, %dma_wait3A_32] : memref<2x16x128xi32, #tpu.memory_space<vmem>> -> memref<1x16x128xi32, #tpu.memory_space<vmem>>
      %dma_wait3A_34 = tpu.memref_squeeze %dma_wait3A_33 : memref<1x16x128xi32, #tpu.memory_space<vmem>> -> memref<16x128xi32, #tpu.memory_space<vmem>>
      %dma_wait3A_35 = arith.constant 0 : i32
      %dma_wait3A_36 = arith.constant 0 : i32
      %dma_wait3A_37 = tpu.memref_slice %arg2[%add3A, %dma_wait3A_35, %dma_wait3A_36] : memref<32x80x128xi32, #tpu.memory_space<hbm>> -> memref<1x16x128xi32, #tpu.memory_space<hbm>>
      %dma_wait3A_38 = tpu.memref_squeeze %dma_wait3A_37 : memref<1x16x128xi32, #tpu.memory_space<hbm>> -> memref<16x128xi32, #tpu.memory_space<hbm>>
      %dma_wait3A_39 = arith.constant 0 : i32
      %dma_wait3A_40 = arith.constant 0 : i32
      %dma_wait3A_41 = tpu.memref_slice %arg7[%run_scoped3A, %dma_wait3A_39, %dma_wait3A_40] : memref<2x16x128xi32, #tpu.memory_space<vmem>> -> memref<1x16x128xi32, #tpu.memory_space<vmem>>
      %dma_wait3A_42 = tpu.memref_squeeze %dma_wait3A_41 : memref<1x16x128xi32, #tpu.memory_space<vmem>> -> memref<16x128xi32, #tpu.memory_space<vmem>>
      %dma_wait3A_43 = arith.constant 0 : i32
      %dma_wait3A_44 = arith.constant 0 : i32
      %dma_wait3A_45 = tpu.memref_slice %arg2[%add3A, %dma_wait3A_43, %dma_wait3A_44] : memref<32x80x128xi32, #tpu.memory_space<hbm>> -> memref<1x16x128xi32, #tpu.memory_space<hbm>>
      %dma_wait3A_46 = tpu.memref_squeeze %dma_wait3A_45 : memref<1x16x128xi32, #tpu.memory_space<hbm>> -> memref<16x128xi32, #tpu.memory_space<hbm>>
      tpu.wait_dma2 semaphore(%run_scoped3A_16 : memref<!tpu.dma_semaphore, #tpu.memory_space<semaphore_mem>>) src(%dma_wait3A_46 : memref<16x128xi32, #tpu.memory_space<hbm>>) dst(%dma_wait3A_42 : memref<16x128xi32, #tpu.memory_space<vmem>>)
      tpu.yield
    }) : () -> ()
    %run_scoped3A_5 = arith.constant 0 : i32
    "tpu.region"() ({
      %run_scoped3A_16 = tpu.sem_alloc : memref<!tpu.dma_semaphore, #tpu.memory_space<semaphore_mem>>
      %dma_start3A = arith.constant 0 : i32
      %dma_start3A_17 = arith.constant 0 : i32
      %dma_start3A_18 = tpu.memref_slice %arg8[%run_scoped3A_5, %dma_start3A, %dma_start3A_17] : memref<2x16x128xi32, #tpu.memory_space<vmem>> -> memref<1x16x128xi32, #tpu.memory_space<vmem>>
      %dma_start3A_19 = tpu.memref_squeeze %dma_start3A_18 : memref<1x16x128xi32, #tpu.memory_space<vmem>> -> memref<16x128xi32, #tpu.memory_space<vmem>>
      %dma_start3A_20 = arith.constant 0 : i32
      %dma_start3A_21 = arith.constant 0 : i32
      %dma_start3A_22 = tpu.memref_slice %arg3[%add3A, %dma_start3A_20, %dma_start3A_21] : memref<32x80x128xi32, #tpu.memory_space<hbm>> -> memref<1x16x128xi32, #tpu.memory_space<hbm>>
      %dma_start3A_23 = tpu.memref_squeeze %dma_start3A_22 : memref<1x16x128xi32, #tpu.memory_space<hbm>> -> memref<16x128xi32, #tpu.memory_space<hbm>>
      %dma_start3A_24 = arith.constant 0 : i32
      %dma_start3A_25 = arith.constant 0 : i32
      %dma_start3A_26 = tpu.memref_slice %arg8[%run_scoped3A_5, %dma_start3A_24, %dma_start3A_25] : memref<2x16x128xi32, #tpu.memory_space<vmem>> -> memref<1x16x128xi32, #tpu.memory_space<vmem>>
      %dma_start3A_27 = tpu.memref_squeeze %dma_start3A_26 : memref<1x16x128xi32, #tpu.memory_space<vmem>> -> memref<16x128xi32, #tpu.memory_space<vmem>>
      %dma_start3A_28 = arith.constant 0 : i32
      %dma_start3A_29 = arith.constant 0 : i32
      %dma_start3A_30 = tpu.memref_slice %arg3[%add3A, %dma_start3A_28, %dma_start3A_29] : memref<32x80x128xi32, #tpu.memory_space<hbm>> -> memref<1x16x128xi32, #tpu.memory_space<hbm>>
      %dma_start3A_31 = tpu.memref_squeeze %dma_start3A_30 : memref<1x16x128xi32, #tpu.memory_space<hbm>> -> memref<16x128xi32, #tpu.memory_space<hbm>>
      tpu.enqueue_dma source(%dma_start3A_31 : memref<16x128xi32, #tpu.memory_space<hbm>>) target(%dma_start3A_27 : memref<16x128xi32, #tpu.memory_space<vmem>>) target_semaphore(%run_scoped3A_16 : memref<!tpu.dma_semaphore, #tpu.memory_space<semaphore_mem>>)
      %dma_wait3A = arith.constant 0 : i32
      %dma_wait3A_32 = arith.constant 0 : i32
      %dma_wait3A_33 = tpu.memref_slice %arg8[%run_scoped3A_5, %dma_wait3A, %dma_wait3A_32] : memref<2x16x128xi32, #tpu.memory_space<vmem>> -> memref<1x16x128xi32, #tpu.memory_space<vmem>>
      %dma_wait3A_34 = tpu.memref_squeeze %dma_wait3A_33 : memref<1x16x128xi32, #tpu.memory_space<vmem>> -> memref<16x128xi32, #tpu.memory_space<vmem>>
      %dma_wait3A_35 = arith.constant 0 : i32
      %dma_wait3A_36 = arith.constant 0 : i32
      %dma_wait3A_37 = tpu.memref_slice %arg3[%add3A, %dma_wait3A_35, %dma_wait3A_36] : memref<32x80x128xi32, #tpu.memory_space<hbm>> -> memref<1x16x128xi32, #tpu.memory_space<hbm>>
      %dma_wait3A_38 = tpu.memref_squeeze %dma_wait3A_37 : memref<1x16x128xi32, #tpu.memory_space<hbm>> -> memref<16x128xi32, #tpu.memory_space<hbm>>
      %dma_wait3A_39 = arith.constant 0 : i32
      %dma_wait3A_40 = arith.constant 0 : i32
      %dma_wait3A_41 = tpu.memref_slice %arg8[%run_scoped3A_5, %dma_wait3A_39, %dma_wait3A_40] : memref<2x16x128xi32, #tpu.memory_space<vmem>> -> memref<1x16x128xi32, #tpu.memory_space<vmem>>
      %dma_wait3A_42 = tpu.memref_squeeze %dma_wait3A_41 : memref<1x16x128xi32, #tpu.memory_space<vmem>> -> memref<16x128xi32, #tpu.memory_space<vmem>>
      %dma_wait3A_43 = arith.constant 0 : i32
      %dma_wait3A_44 = arith.constant 0 : i32
      %dma_wait3A_45 = tpu.memref_slice %arg3[%add3A, %dma_wait3A_43, %dma_wait3A_44] : memref<32x80x128xi32, #tpu.memory_space<hbm>> -> memref<1x16x128xi32, #tpu.memory_space<hbm>>
      %dma_wait3A_46 = tpu.memref_squeeze %dma_wait3A_45 : memref<1x16x128xi32, #tpu.memory_space<hbm>> -> memref<16x128xi32, #tpu.memory_space<hbm>>
      tpu.wait_dma2 semaphore(%run_scoped3A_16 : memref<!tpu.dma_semaphore, #tpu.memory_space<semaphore_mem>>) src(%dma_wait3A_46 : memref<16x128xi32, #tpu.memory_space<hbm>>) dst(%dma_wait3A_42 : memref<16x128xi32, #tpu.memory_space<vmem>>)
      tpu.yield
    }) : () -> ()
    %barrier3A = arith.constant 0 : index
    tpu.barrier barrier_id(%barrier3A)
    %scan3A = arith.constant 0 : i32
    %scan3A_6 = arith.constant 0 : i32
    %scan3A_7 = arith.constant 5 : i32
    %scan3A_8 = arith.addi %scan3A_6, %scan3A_7 : i32
    %scan3A_9 = arith.constant 1 : i32
    scf.for %scan3A_16 = %scan3A_6 to %scan3A_8 step %scan3A_9  : i32 {
      %rem3A = arith.constant 2 : i32
      %rem3A_17 = arith.remsi %scan3A_16, %rem3A : i32
      %gt3A = arith.constant 0 : i32
      %gt3A_18 = arith.cmpi sgt, %scan3A_16, %gt3A : i32
      %convert_element_type3A = arith.extui %gt3A_18 : i1 to i32
      %cond3A = arith.constant 0 : i32
      %cond3A_19 = arith.cmpi ne, %convert_element_type3A, %cond3A : i32
      scf.if %cond3A_19 {
        %mul3A_61 = arith.constant 16 : i32
        %mul3A_62 = arith.muli %scan3A_16, %mul3A_61 : i32
        %dma_wait3A = arith.constant 0 : i32
        %dma_wait3A_63 = arith.constant 0 : i32
        %dma_wait3A_64 = tpu.memref_slice %arg7[%rem3A_17, %dma_wait3A, %dma_wait3A_63] : memref<2x16x128xi32, #tpu.memory_space<vmem>> -> memref<1x16x128xi32, #tpu.memory_space<vmem>>
        %dma_wait3A_65 = tpu.memref_squeeze %dma_wait3A_64 : memref<1x16x128xi32, #tpu.memory_space<vmem>> -> memref<16x128xi32, #tpu.memory_space<vmem>>
        %dma_wait3A_66 = arith.constant 0 : i32
        %dma_wait3A_67 = tpu.memref_slice %arg2[%add3A, %mul3A_62, %dma_wait3A_66] : memref<32x80x128xi32, #tpu.memory_space<hbm>> -> memref<1x16x128xi32, #tpu.memory_space<hbm>>
        %dma_wait3A_68 = tpu.memref_squeeze %dma_wait3A_67 : memref<1x16x128xi32, #tpu.memory_space<hbm>> -> memref<16x128xi32, #tpu.memory_space<hbm>>
        %dma_wait3A_69 = arith.constant 0 : i32
        %dma_wait3A_70 = arith.constant 0 : i32
        %dma_wait3A_71 = tpu.memref_slice %arg7[%rem3A_17, %dma_wait3A_69, %dma_wait3A_70] : memref<2x16x128xi32, #tpu.memory_space<vmem>> -> memref<1x16x128xi32, #tpu.memory_space<vmem>>
        %dma_wait3A_72 = tpu.memref_squeeze %dma_wait3A_71 : memref<1x16x128xi32, #tpu.memory_space<vmem>> -> memref<16x128xi32, #tpu.memory_space<vmem>>
        %dma_wait3A_73 = arith.constant 0 : i32
        %dma_wait3A_74 = tpu.memref_slice %arg2[%add3A, %mul3A_62, %dma_wait3A_73] : memref<32x80x128xi32, #tpu.memory_space<hbm>> -> memref<1x16x128xi32, #tpu.memory_space<hbm>>
        %dma_wait3A_75 = tpu.memref_squeeze %dma_wait3A_74 : memref<1x16x128xi32, #tpu.memory_space<hbm>> -> memref<16x128xi32, #tpu.memory_space<hbm>>
        tpu.wait_dma2 semaphore(%arg12 : memref<!tpu.dma_semaphore, #tpu.memory_space<semaphore_mem>>) src(%dma_wait3A_75 : memref<16x128xi32, #tpu.memory_space<hbm>>) dst(%dma_wait3A_72 : memref<16x128xi32, #tpu.memory_space<vmem>>)
        %mul3A_76 = arith.constant 16 : i32
        %mul3A_77 = arith.muli %scan3A_16, %mul3A_76 : i32
        %dma_wait3A_78 = arith.constant 0 : i32
        %dma_wait3A_79 = arith.constant 0 : i32
        %dma_wait3A_80 = tpu.memref_slice %arg8[%rem3A_17, %dma_wait3A_78, %dma_wait3A_79] : memref<2x16x128xi32, #tpu.memory_space<vmem>> -> memref<1x16x128xi32, #tpu.memory_space<vmem>>
        %dma_wait3A_81 = tpu.memref_squeeze %dma_wait3A_80 : memref<1x16x128xi32, #tpu.memory_space<vmem>> -> memref<16x128xi32, #tpu.memory_space<vmem>>
        %dma_wait3A_82 = arith.constant 0 : i32
        %dma_wait3A_83 = tpu.memref_slice %arg3[%add3A, %mul3A_77, %dma_wait3A_82] : memref<32x80x128xi32, #tpu.memory_space<hbm>> -> memref<1x16x128xi32, #tpu.memory_space<hbm>>
        %dma_wait3A_84 = tpu.memref_squeeze %dma_wait3A_83 : memref<1x16x128xi32, #tpu.memory_space<hbm>> -> memref<16x128xi32, #tpu.memory_space<hbm>>
        %dma_wait3A_85 = arith.constant 0 : i32
        %dma_wait3A_86 = arith.constant 0 : i32
        %dma_wait3A_87 = tpu.memref_slice %arg8[%rem3A_17, %dma_wait3A_85, %dma_wait3A_86] : memref<2x16x128xi32, #tpu.memory_space<vmem>> -> memref<1x16x128xi32, #tpu.memory_space<vmem>>
        %dma_wait3A_88 = tpu.memref_squeeze %dma_wait3A_87 : memref<1x16x128xi32, #tpu.memory_space<vmem>> -> memref<16x128xi32, #tpu.memory_space<vmem>>
        %dma_wait3A_89 = arith.constant 0 : i32
        %dma_wait3A_90 = tpu.memref_slice %arg3[%add3A, %mul3A_77, %dma_wait3A_89] : memref<32x80x128xi32, #tpu.memory_space<hbm>> -> memref<1x16x128xi32, #tpu.memory_space<hbm>>
        %dma_wait3A_91 = tpu.memref_squeeze %dma_wait3A_90 : memref<1x16x128xi32, #tpu.memory_space<hbm>> -> memref<16x128xi32, #tpu.memory_space<hbm>>
        tpu.wait_dma2 semaphore(%arg13 : memref<!tpu.dma_semaphore, #tpu.memory_space<semaphore_mem>>) src(%dma_wait3A_91 : memref<16x128xi32, #tpu.memory_space<hbm>>) dst(%dma_wait3A_88 : memref<16x128xi32, #tpu.memory_space<vmem>>)
      } else {
      }
      %add3A_20 = arith.constant 1 : i32
      %add3A_21 = arith.addi %scan3A_16, %add3A_20 : i32
      %lt3A = arith.constant 5 : i32
      %lt3A_22 = arith.cmpi slt, %add3A_21, %lt3A : i32
      %convert_element_type3A_23 = arith.extui %lt3A_22 : i1 to i32
      %cond3A_24 = arith.constant 0 : i32
      %cond3A_25 = arith.cmpi ne, %convert_element_type3A_23, %cond3A_24 : i32
      scf.if %cond3A_25 {
        %add3A_61 = arith.constant 1 : i32
        %add3A_62 = arith.addi %scan3A_16, %add3A_61 : i32
        %rem3A_63 = arith.constant 2 : i32
        %rem3A_64 = arith.remsi %add3A_62, %rem3A_63 : i32
        %add3A_65 = arith.constant 1 : i32
        %add3A_66 = arith.addi %scan3A_16, %add3A_65 : i32
        %mul3A_67 = arith.constant 16 : i32
        %mul3A_68 = arith.muli %add3A_66, %mul3A_67 : i32
        %dma_start3A_69 = arith.constant 0 : i32
        %dma_start3A_70 = arith.constant 0 : i32
        %dma_start3A_71 = tpu.memref_slice %arg7[%rem3A_64, %dma_start3A_69, %dma_start3A_70] : memref<2x16x128xi32, #tpu.memory_space<vmem>> -> memref<1x16x128xi32, #tpu.memory_space<vmem>>
        %dma_start3A_72 = tpu.memref_squeeze %dma_start3A_71 : memref<1x16x128xi32, #tpu.memory_space<vmem>> -> memref<16x128xi32, #tpu.memory_space<vmem>>
        %dma_start3A_73 = arith.constant 0 : i32
        %dma_start3A_74 = tpu.memref_slice %arg2[%add3A, %mul3A_68, %dma_start3A_73] : memref<32x80x128xi32, #tpu.memory_space<hbm>> -> memref<1x16x128xi32, #tpu.memory_space<hbm>>
        %dma_start3A_75 = tpu.memref_squeeze %dma_start3A_74 : memref<1x16x128xi32, #tpu.memory_space<hbm>> -> memref<16x128xi32, #tpu.memory_space<hbm>>
        %dma_start3A_76 = arith.constant 0 : i32
        %dma_start3A_77 = arith.constant 0 : i32
        %dma_start3A_78 = tpu.memref_slice %arg7[%rem3A_64, %dma_start3A_76, %dma_start3A_77] : memref<2x16x128xi32, #tpu.memory_space<vmem>> -> memref<1x16x128xi32, #tpu.memory_space<vmem>>
        %dma_start3A_79 = tpu.memref_squeeze %dma_start3A_78 : memref<1x16x128xi32, #tpu.memory_space<vmem>> -> memref<16x128xi32, #tpu.memory_space<vmem>>
        %dma_start3A_80 = arith.constant 0 : i32
        %dma_start3A_81 = tpu.memref_slice %arg2[%add3A, %mul3A_68, %dma_start3A_80] : memref<32x80x128xi32, #tpu.memory_space<hbm>> -> memref<1x16x128xi32, #tpu.memory_space<hbm>>
        %dma_start3A_82 = tpu.memref_squeeze %dma_start3A_81 : memref<1x16x128xi32, #tpu.memory_space<hbm>> -> memref<16x128xi32, #tpu.memory_space<hbm>>
        tpu.enqueue_dma source(%dma_start3A_82 : memref<16x128xi32, #tpu.memory_space<hbm>>) target(%dma_start3A_79 : memref<16x128xi32, #tpu.memory_space<vmem>>) target_semaphore(%arg12 : memref<!tpu.dma_semaphore, #tpu.memory_space<semaphore_mem>>)
        %add3A_83 = arith.constant 1 : i32
        %add3A_84 = arith.addi %scan3A_16, %add3A_83 : i32
        %mul3A_85 = arith.constant 16 : i32
        %mul3A_86 = arith.muli %add3A_84, %mul3A_85 : i32
        %dma_start3A_87 = arith.constant 0 : i32
        %dma_start3A_88 = arith.constant 0 : i32
        %dma_start3A_89 = tpu.memref_slice %arg8[%rem3A_64, %dma_start3A_87, %dma_start3A_88] : memref<2x16x128xi32, #tpu.memory_space<vmem>> -> memref<1x16x128xi32, #tpu.memory_space<vmem>>
        %dma_start3A_90 = tpu.memref_squeeze %dma_start3A_89 : memref<1x16x128xi32, #tpu.memory_space<vmem>> -> memref<16x128xi32, #tpu.memory_space<vmem>>
        %dma_start3A_91 = arith.constant 0 : i32
        %dma_start3A_92 = tpu.memref_slice %arg3[%add3A, %mul3A_86, %dma_start3A_91] : memref<32x80x128xi32, #tpu.memory_space<hbm>> -> memref<1x16x128xi32, #tpu.memory_space<hbm>>
        %dma_start3A_93 = tpu.memref_squeeze %dma_start3A_92 : memref<1x16x128xi32, #tpu.memory_space<hbm>> -> memref<16x128xi32, #tpu.memory_space<hbm>>
        %dma_start3A_94 = arith.constant 0 : i32
        %dma_start3A_95 = arith.constant 0 : i32
        %dma_start3A_96 = tpu.memref_slice %arg8[%rem3A_64, %dma_start3A_94, %dma_start3A_95] : memref<2x16x128xi32, #tpu.memory_space<vmem>> -> memref<1x16x128xi32, #tpu.memory_space<vmem>>
        %dma_start3A_97 = tpu.memref_squeeze %dma_start3A_96 : memref<1x16x128xi32, #tpu.memory_space<vmem>> -> memref<16x128xi32, #tpu.memory_space<vmem>>
        %dma_start3A_98 = arith.constant 0 : i32
        %dma_start3A_99 = tpu.memref_slice %arg3[%add3A, %mul3A_86, %dma_start3A_98] : memref<32x80x128xi32, #tpu.memory_space<hbm>> -> memref<1x16x128xi32, #tpu.memory_space<hbm>>
        %dma_start3A_100 = tpu.memref_squeeze %dma_start3A_99 : memref<1x16x128xi32, #tpu.memory_space<hbm>> -> memref<16x128xi32, #tpu.memory_space<hbm>>
        tpu.enqueue_dma source(%dma_start3A_100 : memref<16x128xi32, #tpu.memory_space<hbm>>) target(%dma_start3A_97 : memref<16x128xi32, #tpu.memory_space<vmem>>) target_semaphore(%arg13 : memref<!tpu.dma_semaphore, #tpu.memory_space<semaphore_mem>>)
      } else {
      }
      %dma_start3A = arith.constant 0 : i32
      %dma_start3A_26 = arith.constant 0 : i32
      %dma_start3A_27 = arith.constant 0 : i32
      %dma_start3A_28 = arith.constant 0 : i32
      %dma_start3A_29 = arith.constant 0 : i32
      %dma_start3A_30 = tpu.memref_slice %arg9[%dma_start3A_26, %dma_start3A_28, %dma_start3A_29] : memref<2x128x128xf32, #tpu.memory_space<vmem>> -> memref<1x128x128xf32, #tpu.memory_space<vmem>>
      %dma_start3A_31 = tpu.memref_squeeze %dma_start3A_30 : memref<1x128x128xf32, #tpu.memory_space<vmem>> -> memref<128x128xf32, #tpu.memory_space<vmem>>
      %dma_start3A_32 = arith.constant 0 : i32
      %dma_start3A_33 = tpu.memref_slice %arg7[%rem3A_17, %dma_start3A, %dma_start3A_32] : memref<2x16x128xi32, #tpu.memory_space<vmem>> -> memref<1x1x128xi32, #tpu.memory_space<vmem>>
      %dma_start3A_34 = tpu.memref_squeeze %dma_start3A_33 : memref<1x1x128xi32, #tpu.memory_space<vmem>> -> memref<128xi32, #tpu.memory_space<vmem>>
      %dma_start3A_35 = arith.constant 0 : i32
      %dma_start3A_36 = arith.constant 0 : i32
      %dma_start3A_37 = tpu.memref_slice %arg4[%dma_start3A_35, %dma_start3A_36] : memref<10000x128xf32, #tpu.memory_space<hbm>> -> memref<10000x128xf32, #tpu.memory_space<hbm>>
      %dma_start3A_38 = tpu.memref_slice %arg11[%dma_start3A_27] : memref<2x!tpu.dma_semaphore, #tpu.memory_space<semaphore_mem>> -> memref<1x!tpu.dma_semaphore, #tpu.memory_space<semaphore_mem>>
      %dma_start3A_39 = tpu.memref_squeeze %dma_start3A_38 : memref<1x!tpu.dma_semaphore, #tpu.memory_space<semaphore_mem>> -> memref<!tpu.dma_semaphore, #tpu.memory_space<semaphore_mem>>
      tpu.enqueue_indirect_dma source(%dma_start3A_37 : memref<10000x128xf32, #tpu.memory_space<hbm>>) target(%dma_start3A_31 : memref<128x128xf32, #tpu.memory_space<vmem>>) offsets(%dma_start3A_34 : memref<128xi32, #tpu.memory_space<vmem>>) semaphore(%dma_start3A_39 : memref<!tpu.dma_semaphore, #tpu.memory_space<semaphore_mem>>)
      %dma_start3A_40 = arith.constant 1 : i32
      %dma_start3A_41 = arith.constant 1 : i32
      %dma_start3A_42 = arith.constant 1 : i32
      %dma_start3A_43 = arith.constant 0 : i32
      %dma_start3A_44 = arith.constant 0 : i32
      %dma_start3A_45 = tpu.memref_slice %arg9[%dma_start3A_41, %dma_start3A_43, %dma_start3A_44] : memref<2x128x128xf32, #tpu.memory_space<vmem>> -> memref<1x128x128xf32, #tpu.memory_space<vmem>>
      %dma_start3A_46 = tpu.memref_squeeze %dma_start3A_45 : memref<1x128x128xf32, #tpu.memory_space<vmem>> -> memref<128x128xf32, #tpu.memory_space<vmem>>
      %dma_start3A_47 = arith.constant 0 : i32
      %dma_start3A_48 = tpu.memref_slice %arg7[%rem3A_17, %dma_start3A_40, %dma_start3A_47] : memref<2x16x128xi32, #tpu.memory_space<vmem>> -> memref<1x1x128xi32, #tpu.memory_space<vmem>>
      %dma_start3A_49 = tpu.memref_squeeze %dma_start3A_48 : memref<1x1x128xi32, #tpu.memory_space<vmem>> -> memref<128xi32, #tpu.memory_space<vmem>>
      %dma_start3A_50 = arith.constant 0 : i32
      %dma_start3A_51 = arith.constant 0 : i32
      %dma_start3A_52 = tpu.memref_slice %arg4[%dma_start3A_50, %dma_start3A_51] : memref<10000x128xf32, #tpu.memory_space<hbm>> -> memref<10000x128xf32, #tpu.memory_space<hbm>>
      %dma_start3A_53 = tpu.memref_slice %arg11[%dma_start3A_42] : memref<2x!tpu.dma_semaphore, #tpu.memory_space<semaphore_mem>> -> memref<1x!tpu.dma_semaphore, #tpu.memory_space<semaphore_mem>>
      %dma_start3A_54 = tpu.memref_squeeze %dma_start3A_53 : memref<1x!tpu.dma_semaphore, #tpu.memory_space<semaphore_mem>> -> memref<!tpu.dma_semaphore, #tpu.memory_space<semaphore_mem>>
      tpu.enqueue_indirect_dma source(%dma_start3A_52 : memref<10000x128xf32, #tpu.memory_space<hbm>>) target(%dma_start3A_46 : memref<128x128xf32, #tpu.memory_space<vmem>>) offsets(%dma_start3A_49 : memref<128xi32, #tpu.memory_space<vmem>>) semaphore(%dma_start3A_54 : memref<!tpu.dma_semaphore, #tpu.memory_space<semaphore_mem>>)
      %scan3A_55 = arith.constant 0 : i32
      %scan3A_56 = arith.constant 0 : i32
      %scan3A_57 = arith.constant 8 : i32
      %scan3A_58 = arith.addi %scan3A_56, %scan3A_57 : i32
      %scan3A_59 = arith.constant 1 : i32
      scf.for %scan3A_61 = %scan3A_56 to %scan3A_58 step %scan3A_59  : i32 {
        %mul3A_62 = arith.constant 2 : i32
        %mul3A_63 = arith.muli %scan3A_61, %mul3A_62 : i32
        %add3A_64 = arith.constant 0 : i32
        %add3A_65 = arith.addi %mul3A_63, %add3A_64 : i32
        %dma_wait3A = arith.constant 0 : i32
        %dma_wait3A_66 = arith.constant 0 : i32
        %dma_wait3A_67 = arith.constant 0 : i32
        %dma_wait3A_68 = arith.constant 0 : i32
        %dma_wait3A_69 = tpu.memref_slice %arg9[%dma_wait3A, %dma_wait3A_67, %dma_wait3A_68] : memref<2x128x128xf32, #tpu.memory_space<vmem>> -> memref<1x128x128xf32, #tpu.memory_space<vmem>>
        %dma_wait3A_70 = tpu.memref_squeeze %dma_wait3A_69 : memref<1x128x128xf32, #tpu.memory_space<vmem>> -> memref<128x128xf32, #tpu.memory_space<vmem>>
        %dma_wait3A_71 = arith.constant 0 : i32
        %dma_wait3A_72 = tpu.memref_slice %arg7[%rem3A_17, %add3A_65, %dma_wait3A_71] : memref<2x16x128xi32, #tpu.memory_space<vmem>> -> memref<1x1x128xi32, #tpu.memory_space<vmem>>
        %dma_wait3A_73 = tpu.memref_squeeze %dma_wait3A_72 : memref<1x1x128xi32, #tpu.memory_space<vmem>> -> memref<128xi32, #tpu.memory_space<vmem>>
        %dma_wait3A_74 = arith.constant 0 : i32
        %dma_wait3A_75 = arith.constant 0 : i32
        %dma_wait3A_76 = tpu.memref_slice %arg4[%dma_wait3A_74, %dma_wait3A_75] : memref<10000x128xf32, #tpu.memory_space<hbm>> -> memref<10000x128xf32, #tpu.memory_space<hbm>>
        %dma_wait3A_77 = tpu.memref_slice %arg11[%dma_wait3A_66] : memref<2x!tpu.dma_semaphore, #tpu.memory_space<semaphore_mem>> -> memref<1x!tpu.dma_semaphore, #tpu.memory_space<semaphore_mem>>
        %dma_wait3A_78 = tpu.memref_squeeze %dma_wait3A_77 : memref<1x!tpu.dma_semaphore, #tpu.memory_space<semaphore_mem>> -> memref<!tpu.dma_semaphore, #tpu.memory_space<semaphore_mem>>
        tpu.wait_indirect_dma semaphore(%dma_wait3A_78 : memref<!tpu.dma_semaphore, #tpu.memory_space<semaphore_mem>>) src(%dma_wait3A_76 : memref<10000x128xf32, #tpu.memory_space<hbm>>) dst(%dma_wait3A_70 : memref<128x128xf32, #tpu.memory_space<vmem>>)
        %run_scoped3A_79 = arith.constant 0 : i32
        "tpu.region"() ({
          %run_scoped3A_109 = tpu.sem_alloc : memref<!tpu.dma_semaphore, #tpu.memory_space<semaphore_mem>>
          %dma_start3A_110 = arith.constant 0 : i32
          %dma_start3A_111 = arith.constant 0 : i32
          %dma_start3A_112 = tpu.memref_slice %arg9[%run_scoped3A_79, %dma_start3A_110, %dma_start3A_111] : memref<2x128x128xf32, #tpu.memory_space<vmem>> -> memref<1x128x128xf32, #tpu.memory_space<vmem>>
          %dma_start3A_113 = tpu.memref_squeeze %dma_start3A_112 : memref<1x128x128xf32, #tpu.memory_space<vmem>> -> memref<128x128xf32, #tpu.memory_space<vmem>>
          %dma_start3A_114 = arith.constant 0 : i32
          %dma_start3A_115 = tpu.memref_slice %arg8[%rem3A_17, %add3A_65, %dma_start3A_114] : memref<2x16x128xi32, #tpu.memory_space<vmem>> -> memref<1x1x128xi32, #tpu.memory_space<vmem>>
          %dma_start3A_116 = tpu.memref_squeeze %dma_start3A_115 : memref<1x1x128xi32, #tpu.memory_space<vmem>> -> memref<128xi32, #tpu.memory_space<vmem>>
          %dma_start3A_117 = arith.constant 0 : i32
          %dma_start3A_118 = arith.constant 0 : i32
          %dma_start3A_119 = tpu.memref_slice %arg10[%dma_start3A_117, %dma_start3A_118] : memref<10112x128xf32, #tpu.memory_space<vmem_shared>> -> memref<10112x128xf32, #tpu.memory_space<vmem_shared>>
          tpu.enqueue_indirect_dma source(%dma_start3A_113 : memref<128x128xf32, #tpu.memory_space<vmem>>) target(%dma_start3A_119 : memref<10112x128xf32, #tpu.memory_space<vmem_shared>>) offsets(%dma_start3A_116 : memref<128xi32, #tpu.memory_space<vmem>>) semaphore(%run_scoped3A_109 : memref<!tpu.dma_semaphore, #tpu.memory_space<semaphore_mem>>) {add = true}
          %dma_wait3A_120 = arith.constant 0 : i32
          %dma_wait3A_121 = arith.constant 0 : i32
          %dma_wait3A_122 = tpu.memref_slice %arg9[%run_scoped3A_79, %dma_wait3A_120, %dma_wait3A_121] : memref<2x128x128xf32, #tpu.memory_space<vmem>> -> memref<1x128x128xf32, #tpu.memory_space<vmem>>
          %dma_wait3A_123 = tpu.memref_squeeze %dma_wait3A_122 : memref<1x128x128xf32, #tpu.memory_space<vmem>> -> memref<128x128xf32, #tpu.memory_space<vmem>>
          %dma_wait3A_124 = arith.constant 0 : i32
          %dma_wait3A_125 = tpu.memref_slice %arg8[%rem3A_17, %add3A_65, %dma_wait3A_124] : memref<2x16x128xi32, #tpu.memory_space<vmem>> -> memref<1x1x128xi32, #tpu.memory_space<vmem>>
          %dma_wait3A_126 = tpu.memref_squeeze %dma_wait3A_125 : memref<1x1x128xi32, #tpu.memory_space<vmem>> -> memref<128xi32, #tpu.memory_space<vmem>>
          %dma_wait3A_127 = arith.constant 0 : i32
          %dma_wait3A_128 = arith.constant 0 : i32
          %dma_wait3A_129 = tpu.memref_slice %arg10[%dma_wait3A_127, %dma_wait3A_128] : memref<10112x128xf32, #tpu.memory_space<vmem_shared>> -> memref<10112x128xf32, #tpu.memory_space<vmem_shared>>
          tpu.wait_indirect_dma semaphore(%run_scoped3A_109 : memref<!tpu.dma_semaphore, #tpu.memory_space<semaphore_mem>>) src(%dma_wait3A_123 : memref<128x128xf32, #tpu.memory_space<vmem>>) dst(%dma_wait3A_129 : memref<10112x128xf32, #tpu.memory_space<vmem_shared>>)
          tpu.yield
        }) : () -> ()
        %lt3A_80 = arith.constant 7 : i32
        %lt3A_81 = arith.cmpi slt, %scan3A_61, %lt3A_80 : i32
        %convert_element_type3A_82 = arith.extui %lt3A_81 : i1 to i32
        %cond3A_83 = arith.constant 0 : i32
        %cond3A_84 = arith.cmpi ne, %convert_element_type3A_82, %cond3A_83 : i32
        scf.if %cond3A_84 {
          %add3A_109 = arith.constant 2 : i32
          %add3A_110 = arith.addi %add3A_65, %add3A_109 : i32
          %dma_start3A_111 = arith.constant 0 : i32
          %dma_start3A_112 = arith.constant 0 : i32
          %dma_start3A_113 = arith.constant 0 : i32
          %dma_start3A_114 = arith.constant 0 : i32
          %dma_start3A_115 = tpu.memref_slice %arg9[%dma_start3A_111, %dma_start3A_113, %dma_start3A_114] : memref<2x128x128xf32, #tpu.memory_space<vmem>> -> memref<1x128x128xf32, #tpu.memory_space<vmem>>
          %dma_start3A_116 = tpu.memref_squeeze %dma_start3A_115 : memref<1x128x128xf32, #tpu.memory_space<vmem>> -> memref<128x128xf32, #tpu.memory_space<vmem>>
          %dma_start3A_117 = arith.constant 0 : i32
          %dma_start3A_118 = tpu.memref_slice %arg7[%rem3A_17, %add3A_110, %dma_start3A_117] : memref<2x16x128xi32, #tpu.memory_space<vmem>> -> memref<1x1x128xi32, #tpu.memory_space<vmem>>
          %dma_start3A_119 = tpu.memref_squeeze %dma_start3A_118 : memref<1x1x128xi32, #tpu.memory_space<vmem>> -> memref<128xi32, #tpu.memory_space<vmem>>
          %dma_start3A_120 = arith.constant 0 : i32
          %dma_start3A_121 = arith.constant 0 : i32
          %dma_start3A_122 = tpu.memref_slice %arg4[%dma_start3A_120, %dma_start3A_121] : memref<10000x128xf32, #tpu.memory_space<hbm>> -> memref<10000x128xf32, #tpu.memory_space<hbm>>
          %dma_start3A_123 = tpu.memref_slice %arg11[%dma_start3A_112] : memref<2x!tpu.dma_semaphore, #tpu.memory_space<semaphore_mem>> -> memref<1x!tpu.dma_semaphore, #tpu.memory_space<semaphore_mem>>
          %dma_start3A_124 = tpu.memref_squeeze %dma_start3A_123 : memref<1x!tpu.dma_semaphore, #tpu.memory_space<semaphore_mem>> -> memref<!tpu.dma_semaphore, #tpu.memory_space<semaphore_mem>>
          tpu.enqueue_indirect_dma source(%dma_start3A_122 : memref<10000x128xf32, #tpu.memory_space<hbm>>) target(%dma_start3A_116 : memref<128x128xf32, #tpu.memory_space<vmem>>) offsets(%dma_start3A_119 : memref<128xi32, #tpu.memory_space<vmem>>) semaphore(%dma_start3A_124 : memref<!tpu.dma_semaphore, #tpu.memory_space<semaphore_mem>>)
        } else {
        }
        %mul3A_85 = arith.constant 2 : i32
        %mul3A_86 = arith.muli %scan3A_61, %mul3A_85 : i32
        %add3A_87 = arith.constant 1 : i32
        %add3A_88 = arith.addi %mul3A_86, %add3A_87 : i32
        %dma_wait3A_89 = arith.constant 1 : i32
        %dma_wait3A_90 = arith.constant 1 : i32
        %dma_wait3A_91 = arith.constant 0 : i32
        %dma_wait3A_92 = arith.constant 0 : i32
        %dma_wait3A_93 = tpu.memref_slice %arg9[%dma_wait3A_89, %dma_wait3A_91, %dma_wait3A_92] : memref<2x128x128xf32, #tpu.memory_space<vmem>> -> memref<1x128x128xf32, #tpu.memory_space<vmem>>
        %dma_wait3A_94 = tpu.memref_squeeze %dma_wait3A_93 : memref<1x128x128xf32, #tpu.memory_space<vmem>> -> memref<128x128xf32, #tpu.memory_space<vmem>>
        %dma_wait3A_95 = arith.constant 0 : i32
        %dma_wait3A_96 = tpu.memref_slice %arg7[%rem3A_17, %add3A_88, %dma_wait3A_95] : memref<2x16x128xi32, #tpu.memory_space<vmem>> -> memref<1x1x128xi32, #tpu.memory_space<vmem>>
        %dma_wait3A_97 = tpu.memref_squeeze %dma_wait3A_96 : memref<1x1x128xi32, #tpu.memory_space<vmem>> -> memref<128xi32, #tpu.memory_space<vmem>>
        %dma_wait3A_98 = arith.constant 0 : i32
        %dma_wait3A_99 = arith.constant 0 : i32
        %dma_wait3A_100 = tpu.memref_slice %arg4[%dma_wait3A_98, %dma_wait3A_99] : memref<10000x128xf32, #tpu.memory_space<hbm>> -> memref<10000x128xf32, #tpu.memory_space<hbm>>
        %dma_wait3A_101 = tpu.memref_slice %arg11[%dma_wait3A_90] : memref<2x!tpu.dma_semaphore, #tpu.memory_space<semaphore_mem>> -> memref<1x!tpu.dma_semaphore, #tpu.memory_space<semaphore_mem>>
        %dma_wait3A_102 = tpu.memref_squeeze %dma_wait3A_101 : memref<1x!tpu.dma_semaphore, #tpu.memory_space<semaphore_mem>> -> memref<!tpu.dma_semaphore, #tpu.memory_space<semaphore_mem>>
        tpu.wait_indirect_dma semaphore(%dma_wait3A_102 : memref<!tpu.dma_semaphore, #tpu.memory_space<semaphore_mem>>) src(%dma_wait3A_100 : memref<10000x128xf32, #tpu.memory_space<hbm>>) dst(%dma_wait3A_94 : memref<128x128xf32, #tpu.memory_space<vmem>>)
        %run_scoped3A_103 = arith.constant 1 : i32
        "tpu.region"() ({
          %run_scoped3A_109 = tpu.sem_alloc : memref<!tpu.dma_semaphore, #tpu.memory_space<semaphore_mem>>
          %dma_start3A_110 = arith.constant 0 : i32
          %dma_start3A_111 = arith.constant 0 : i32
          %dma_start3A_112 = tpu.memref_slice %arg9[%run_scoped3A_103, %dma_start3A_110, %dma_start3A_111] : memref<2x128x128xf32, #tpu.memory_space<vmem>> -> memref<1x128x128xf32, #tpu.memory_space<vmem>>
          %dma_start3A_113 = tpu.memref_squeeze %dma_start3A_112 : memref<1x128x128xf32, #tpu.memory_space<vmem>> -> memref<128x128xf32, #tpu.memory_space<vmem>>
          %dma_start3A_114 = arith.constant 0 : i32
          %dma_start3A_115 = tpu.memref_slice %arg8[%rem3A_17, %add3A_88, %dma_start3A_114] : memref<2x16x128xi32, #tpu.memory_space<vmem>> -> memref<1x1x128xi32, #tpu.memory_space<vmem>>
          %dma_start3A_116 = tpu.memref_squeeze %dma_start3A_115 : memref<1x1x128xi32, #tpu.memory_space<vmem>> -> memref<128xi32, #tpu.memory_space<vmem>>
          %dma_start3A_117 = arith.constant 0 : i32
          %dma_start3A_118 = arith.constant 0 : i32
          %dma_start3A_119 = tpu.memref_slice %arg10[%dma_start3A_117, %dma_start3A_118] : memref<10112x128xf32, #tpu.memory_space<vmem_shared>> -> memref<10112x128xf32, #tpu.memory_space<vmem_shared>>
          tpu.enqueue_indirect_dma source(%dma_start3A_113 : memref<128x128xf32, #tpu.memory_space<vmem>>) target(%dma_start3A_119 : memref<10112x128xf32, #tpu.memory_space<vmem_shared>>) offsets(%dma_start3A_116 : memref<128xi32, #tpu.memory_space<vmem>>) semaphore(%run_scoped3A_109 : memref<!tpu.dma_semaphore, #tpu.memory_space<semaphore_mem>>) {add = true}
          %dma_wait3A_120 = arith.constant 0 : i32
          %dma_wait3A_121 = arith.constant 0 : i32
          %dma_wait3A_122 = tpu.memref_slice %arg9[%run_scoped3A_103, %dma_wait3A_120, %dma_wait3A_121] : memref<2x128x128xf32, #tpu.memory_space<vmem>> -> memref<1x128x128xf32, #tpu.memory_space<vmem>>
          %dma_wait3A_123 = tpu.memref_squeeze %dma_wait3A_122 : memref<1x128x128xf32, #tpu.memory_space<vmem>> -> memref<128x128xf32, #tpu.memory_space<vmem>>
          %dma_wait3A_124 = arith.constant 0 : i32
          %dma_wait3A_125 = tpu.memref_slice %arg8[%rem3A_17, %add3A_88, %dma_wait3A_124] : memref<2x16x128xi32, #tpu.memory_space<vmem>> -> memref<1x1x128xi32, #tpu.memory_space<vmem>>
          %dma_wait3A_126 = tpu.memref_squeeze %dma_wait3A_125 : memref<1x1x128xi32, #tpu.memory_space<vmem>> -> memref<128xi32, #tpu.memory_space<vmem>>
          %dma_wait3A_127 = arith.constant 0 : i32
          %dma_wait3A_128 = arith.constant 0 : i32
          %dma_wait3A_129 = tpu.memref_slice %arg10[%dma_wait3A_127, %dma_wait3A_128] : memref<10112x128xf32, #tpu.memory_space<vmem_shared>> -> memref<10112x128xf32, #tpu.memory_space<vmem_shared>>
          tpu.wait_indirect_dma semaphore(%run_scoped3A_109 : memref<!tpu.dma_semaphore, #tpu.memory_space<semaphore_mem>>) src(%dma_wait3A_123 : memref<128x128xf32, #tpu.memory_space<vmem>>) dst(%dma_wait3A_129 : memref<10112x128xf32, #tpu.memory_space<vmem_shared>>)
          tpu.yield
        }) : () -> ()
        %lt3A_104 = arith.constant 7 : i32
        %lt3A_105 = arith.cmpi slt, %scan3A_61, %lt3A_104 : i32
        %convert_element_type3A_106 = arith.extui %lt3A_105 : i1 to i32
        %cond3A_107 = arith.constant 0 : i32
        %cond3A_108 = arith.cmpi ne, %convert_element_type3A_106, %cond3A_107 : i32
        scf.if %cond3A_108 {
          %add3A_109 = arith.constant 2 : i32
          %add3A_110 = arith.addi %add3A_88, %add3A_109 : i32
          %dma_start3A_111 = arith.constant 1 : i32
          %dma_start3A_112 = arith.constant 1 : i32
          %dma_start3A_113 = arith.constant 0 : i32
          %dma_start3A_114 = arith.constant 0 : i32
          %dma_start3A_115 = tpu.memref_slice %arg9[%dma_start3A_111, %dma_start3A_113, %dma_start3A_114] : memref<2x128x128xf32, #tpu.memory_space<vmem>> -> memref<1x128x128xf32, #tpu.memory_space<vmem>>
          %dma_start3A_116 = tpu.memref_squeeze %dma_start3A_115 : memref<1x128x128xf32, #tpu.memory_space<vmem>> -> memref<128x128xf32, #tpu.memory_space<vmem>>
          %dma_start3A_117 = arith.constant 0 : i32
          %dma_start3A_118 = tpu.memref_slice %arg7[%rem3A_17, %add3A_110, %dma_start3A_117] : memref<2x16x128xi32, #tpu.memory_space<vmem>> -> memref<1x1x128xi32, #tpu.memory_space<vmem>>
          %dma_start3A_119 = tpu.memref_squeeze %dma_start3A_118 : memref<1x1x128xi32, #tpu.memory_space<vmem>> -> memref<128xi32, #tpu.memory_space<vmem>>
          %dma_start3A_120 = arith.constant 0 : i32
          %dma_start3A_121 = arith.constant 0 : i32
          %dma_start3A_122 = tpu.memref_slice %arg4[%dma_start3A_120, %dma_start3A_121] : memref<10000x128xf32, #tpu.memory_space<hbm>> -> memref<10000x128xf32, #tpu.memory_space<hbm>>
          %dma_start3A_123 = tpu.memref_slice %arg11[%dma_start3A_112] : memref<2x!tpu.dma_semaphore, #tpu.memory_space<semaphore_mem>> -> memref<1x!tpu.dma_semaphore, #tpu.memory_space<semaphore_mem>>
          %dma_start3A_124 = tpu.memref_squeeze %dma_start3A_123 : memref<1x!tpu.dma_semaphore, #tpu.memory_space<semaphore_mem>> -> memref<!tpu.dma_semaphore, #tpu.memory_space<semaphore_mem>>
          tpu.enqueue_indirect_dma source(%dma_start3A_122 : memref<10000x128xf32, #tpu.memory_space<hbm>>) target(%dma_start3A_116 : memref<128x128xf32, #tpu.memory_space<vmem>>) offsets(%dma_start3A_119 : memref<128xi32, #tpu.memory_space<vmem>>) semaphore(%dma_start3A_124 : memref<!tpu.dma_semaphore, #tpu.memory_space<semaphore_mem>>)
        } else {
        }
      }
      %scan3A_60 = arith.constant 8 : i32
    }
    %scan3A_10 = arith.constant 5 : i32
    %barrier3A_11 = arith.constant 0 : index
    tpu.barrier barrier_id(%barrier3A_11)
    %mul3A_12 = arith.constant 632 : i32
    %mul3A_13 = arith.muli %arg1, %mul3A_12 : i32
    %mul3A_14 = arith.constant 632 : i32
    %mul3A_15 = arith.muli %arg1, %mul3A_14 : i32
    "tpu.region"() ({
      %run_scoped3A_16 = tpu.sem_alloc : memref<!tpu.dma_semaphore, #tpu.memory_space<semaphore_mem>>
      %dma_start3A = arith.constant 0 : i32
      %dma_start3A_17 = tpu.memref_slice %arg6[%arg0, %mul3A_15, %dma_start3A] : memref<2x10112x128xf32, #tpu.memory_space<hbm>> -> memref<1x632x128xf32, #tpu.memory_space<hbm>>
      %dma_start3A_18 = tpu.memref_squeeze %dma_start3A_17 : memref<1x632x128xf32, #tpu.memory_space<hbm>> -> memref<632x128xf32, #tpu.memory_space<hbm>>
      %dma_start3A_19 = arith.constant 0 : i32
      %dma_start3A_20 = tpu.memref_slice %arg10[%mul3A_13, %dma_start3A_19] : memref<10112x128xf32, #tpu.memory_space<vmem_shared>> -> memref<632x128xf32, #tpu.memory_space<vmem_shared>>
      tpu.enqueue_dma source(%dma_start3A_20 : memref<632x128xf32, #tpu.memory_space<vmem_shared>>) target(%dma_start3A_18 : memref<632x128xf32, #tpu.memory_space<hbm>>) target_semaphore(%run_scoped3A_16 : memref<!tpu.dma_semaphore, #tpu.memory_space<semaphore_mem>>)
      %dma_wait3A = arith.constant 0 : i32
      %dma_wait3A_21 = tpu.memref_slice %arg6[%arg0, %mul3A_15, %dma_wait3A] : memref<2x10112x128xf32, #tpu.memory_space<hbm>> -> memref<1x632x128xf32, #tpu.memory_space<hbm>>
      %dma_wait3A_22 = tpu.memref_squeeze %dma_wait3A_21 : memref<1x632x128xf32, #tpu.memory_space<hbm>> -> memref<632x128xf32, #tpu.memory_space<hbm>>
      %dma_wait3A_23 = arith.constant 0 : i32
      %dma_wait3A_24 = tpu.memref_slice %arg10[%mul3A_13, %dma_wait3A_23] : memref<10112x128xf32, #tpu.memory_space<vmem_shared>> -> memref<632x128xf32, #tpu.memory_space<vmem_shared>>
      tpu.wait_dma2 semaphore(%run_scoped3A_16 : memref<!tpu.dma_semaphore, #tpu.memory_space<semaphore_mem>>) src(%dma_wait3A_24 : memref<632x128xf32, #tpu.memory_space<vmem_shared>>) dst(%dma_wait3A_22 : memref<632x128xf32, #tpu.memory_space<hbm>>)
      tpu.yield
    }) : () -> ()
    return
  }
}

#map = affine_map<(d0, d1) -> (0, 0, 0)>
#map1 = affine_map<(d0, d1) -> (0, 0)>
module attributes {stable_mosaic.version = 14 : i64} {
  func.func @agg_kernel(%arg0: i32, %arg1: i32, %arg2: memref<32x80x128xi32, #tpu.memory_space<hbm>>, %arg3: memref<32x80x128xi32, #tpu.memory_space<hbm>>, %arg4: memref<10000x128xf32, #tpu.memory_space<hbm>>, %arg5: memref<10112x128xf32, #tpu.memory_space<hbm>>, %arg6: memref<2x10112x128xf32, #tpu.memory_space<hbm>>, %arg7: memref<2x16x128xi32, #tpu.memory_space<vmem>>, %arg8: memref<2x16x128xi32, #tpu.memory_space<vmem>>, %arg9: memref<2x128x128xf32, #tpu.memory_space<vmem>>, %arg10: memref<10112x128xf32, #tpu.memory_space<vmem_shared>>, %arg11: memref<2x!tpu.dma_semaphore, #tpu.memory_space<semaphore_mem>>, %arg12: memref<!tpu.dma_semaphore, #tpu.memory_space<semaphore_mem>>, %arg13: memref<!tpu.dma_semaphore, #tpu.memory_space<semaphore_mem>>) attributes {dimension_semantics = [#tpu.dimension_semantics<core_parallel>, #tpu.dimension_semantics<subcore_parallel>], iteration_bounds = array<i64: 2, 16>, scalar_prefetch = 0 : i64, scratch_operands = 7 : i64, tpu.core_type = #tpu.core_type<sc_vector_subcore>, window_params = [{transform_indices = #map}, {transform_indices = #map}, {transform_indices = #map1}, {transform_indices = #map1}, {transform_indices = #map}]} {
    %mul3A = arith.constant 16 : i32
    %mul3A_0 = arith.muli %arg0, %mul3A : i32
    %add3A = arith.addi %mul3A_0, %arg1 : i32
    %mul3A_1 = arith.constant 632 : i32
    %mul3A_2 = arith.muli %arg1, %mul3A_1 : i32
    %mul3A_3 = arith.constant 632 : i32
    %mul3A_4 = arith.muli %arg1, %mul3A_3 : i32
    "tpu.region"() ({
      %run_scoped3A_16 = tpu.sem_alloc : memref<!tpu.dma_semaphore, #tpu.memory_space<semaphore_mem>>
      %dma_start3A = arith.constant 0 : i32
      %dma_start3A_17 = tpu.memref_slice %arg10[%mul3A_4, %dma_start3A] : memref<10112x128xf32, #tpu.memory_space<vmem_shared>> -> memref<632x128xf32, #tpu.memory_space<vmem_shared>>
      %dma_start3A_18 = arith.constant 0 : i32
      %dma_start3A_19 = tpu.memref_slice %arg5[%mul3A_2, %dma_start3A_18] : memref<10112x128xf32, #tpu.memory_space<hbm>> -> memref<632x128xf32, #tpu.memory_space<hbm>>
      tpu.enqueue_dma source(%dma_start3A_19 : memref<632x128xf32, #tpu.memory_space<hbm>>) target(%dma_start3A_17 : memref<632x128xf32, #tpu.memory_space<vmem_shared>>) target_semaphore(%run_scoped3A_16 : memref<!tpu.dma_semaphore, #tpu.memory_space<semaphore_mem>>)
      %dma_wait3A = arith.constant 0 : i32
      %dma_wait3A_20 = tpu.memref_slice %arg10[%mul3A_4, %dma_wait3A] : memref<10112x128xf32, #tpu.memory_space<vmem_shared>> -> memref<632x128xf32, #tpu.memory_space<vmem_shared>>
      %dma_wait3A_21 = arith.constant 0 : i32
      %dma_wait3A_22 = tpu.memref_slice %arg5[%mul3A_2, %dma_wait3A_21] : memref<10112x128xf32, #tpu.memory_space<hbm>> -> memref<632x128xf32, #tpu.memory_space<hbm>>
      tpu.wait_dma2 semaphore(%run_scoped3A_16 : memref<!tpu.dma_semaphore, #tpu.memory_space<semaphore_mem>>) src(%dma_wait3A_22 : memref<632x128xf32, #tpu.memory_space<hbm>>) dst(%dma_wait3A_20 : memref<632x128xf32, #tpu.memory_space<vmem_shared>>)
      tpu.yield
    }) : () -> ()
    %run_scoped3A = arith.constant 0 : i32
    "tpu.region"() ({
      %run_scoped3A_16 = tpu.sem_alloc : memref<!tpu.dma_semaphore, #tpu.memory_space<semaphore_mem>>
      %dma_start3A = arith.constant 0 : i32
      %dma_start3A_17 = arith.constant 0 : i32
      %dma_start3A_18 = tpu.memref_slice %arg7[%run_scoped3A, %dma_start3A, %dma_start3A_17] : memref<2x16x128xi32, #tpu.memory_space<vmem>> -> memref<1x16x128xi32, #tpu.memory_space<vmem>>
      %dma_start3A_19 = tpu.memref_squeeze %dma_start3A_18 : memref<1x16x128xi32, #tpu.memory_space<vmem>> -> memref<16x128xi32, #tpu.memory_space<vmem>>
      %dma_start3A_20 = arith.constant 0 : i32
      %dma_start3A_21 = arith.constant 0 : i32
      %dma_start3A_22 = tpu.memref_slice %arg2[%add3A, %dma_start3A_20, %dma_start3A_21] : memref<32x80x128xi32, #tpu.memory_space<hbm>> -> memref<1x16x128xi32, #tpu.memory_space<hbm>>
      %dma_start3A_23 = tpu.memref_squeeze %dma_start3A_22 : memref<1x16x128xi32, #tpu.memory_space<hbm>> -> memref<16x128xi32, #tpu.memory_space<hbm>>
      %dma_start3A_24 = arith.constant 0 : i32
      %dma_start3A_25 = arith.constant 0 : i32
      %dma_start3A_26 = tpu.memref_slice %arg7[%run_scoped3A, %dma_start3A_24, %dma_start3A_25] : memref<2x16x128xi32, #tpu.memory_space<vmem>> -> memref<1x16x128xi32, #tpu.memory_space<vmem>>
      %dma_start3A_27 = tpu.memref_squeeze %dma_start3A_26 : memref<1x16x128xi32, #tpu.memory_space<vmem>> -> memref<16x128xi32, #tpu.memory_space<vmem>>
      %dma_start3A_28 = arith.constant 0 : i32
      %dma_start3A_29 = arith.constant 0 : i32
      %dma_start3A_30 = tpu.memref_slice %arg2[%add3A, %dma_start3A_28, %dma_start3A_29] : memref<32x80x128xi32, #tpu.memory_space<hbm>> -> memref<1x16x128xi32, #tpu.memory_space<hbm>>
      %dma_start3A_31 = tpu.memref_squeeze %dma_start3A_30 : memref<1x16x128xi32, #tpu.memory_space<hbm>> -> memref<16x128xi32, #tpu.memory_space<hbm>>
      tpu.enqueue_dma source(%dma_start3A_31 : memref<16x128xi32, #tpu.memory_space<hbm>>) target(%dma_start3A_27 : memref<16x128xi32, #tpu.memory_space<vmem>>) target_semaphore(%run_scoped3A_16 : memref<!tpu.dma_semaphore, #tpu.memory_space<semaphore_mem>>)
      %dma_wait3A = arith.constant 0 : i32
      %dma_wait3A_32 = arith.constant 0 : i32
      %dma_wait3A_33 = tpu.memref_slice %arg7[%run_scoped3A, %dma_wait3A, %dma_wait3A_32] : memref<2x16x128xi32, #tpu.memory_space<vmem>> -> memref<1x16x128xi32, #tpu.memory_space<vmem>>
      %dma_wait3A_34 = tpu.memref_squeeze %dma_wait3A_33 : memref<1x16x128xi32, #tpu.memory_space<vmem>> -> memref<16x128xi32, #tpu.memory_space<vmem>>
      %dma_wait3A_35 = arith.constant 0 : i32
      %dma_wait3A_36 = arith.constant 0 : i32
      %dma_wait3A_37 = tpu.memref_slice %arg2[%add3A, %dma_wait3A_35, %dma_wait3A_36] : memref<32x80x128xi32, #tpu.memory_space<hbm>> -> memref<1x16x128xi32, #tpu.memory_space<hbm>>
      %dma_wait3A_38 = tpu.memref_squeeze %dma_wait3A_37 : memref<1x16x128xi32, #tpu.memory_space<hbm>> -> memref<16x128xi32, #tpu.memory_space<hbm>>
      %dma_wait3A_39 = arith.constant 0 : i32
      %dma_wait3A_40 = arith.constant 0 : i32
      %dma_wait3A_41 = tpu.memref_slice %arg7[%run_scoped3A, %dma_wait3A_39, %dma_wait3A_40] : memref<2x16x128xi32, #tpu.memory_space<vmem>> -> memref<1x16x128xi32, #tpu.memory_space<vmem>>
      %dma_wait3A_42 = tpu.memref_squeeze %dma_wait3A_41 : memref<1x16x128xi32, #tpu.memory_space<vmem>> -> memref<16x128xi32, #tpu.memory_space<vmem>>
      %dma_wait3A_43 = arith.constant 0 : i32
      %dma_wait3A_44 = arith.constant 0 : i32
      %dma_wait3A_45 = tpu.memref_slice %arg2[%add3A, %dma_wait3A_43, %dma_wait3A_44] : memref<32x80x128xi32, #tpu.memory_space<hbm>> -> memref<1x16x128xi32, #tpu.memory_space<hbm>>
      %dma_wait3A_46 = tpu.memref_squeeze %dma_wait3A_45 : memref<1x16x128xi32, #tpu.memory_space<hbm>> -> memref<16x128xi32, #tpu.memory_space<hbm>>
      tpu.wait_dma2 semaphore(%run_scoped3A_16 : memref<!tpu.dma_semaphore, #tpu.memory_space<semaphore_mem>>) src(%dma_wait3A_46 : memref<16x128xi32, #tpu.memory_space<hbm>>) dst(%dma_wait3A_42 : memref<16x128xi32, #tpu.memory_space<vmem>>)
      tpu.yield
    }) : () -> ()
    %run_scoped3A_5 = arith.constant 0 : i32
    "tpu.region"() ({
      %run_scoped3A_16 = tpu.sem_alloc : memref<!tpu.dma_semaphore, #tpu.memory_space<semaphore_mem>>
      %dma_start3A = arith.constant 0 : i32
      %dma_start3A_17 = arith.constant 0 : i32
      %dma_start3A_18 = tpu.memref_slice %arg8[%run_scoped3A_5, %dma_start3A, %dma_start3A_17] : memref<2x16x128xi32, #tpu.memory_space<vmem>> -> memref<1x16x128xi32, #tpu.memory_space<vmem>>
      %dma_start3A_19 = tpu.memref_squeeze %dma_start3A_18 : memref<1x16x128xi32, #tpu.memory_space<vmem>> -> memref<16x128xi32, #tpu.memory_space<vmem>>
      %dma_start3A_20 = arith.constant 0 : i32
      %dma_start3A_21 = arith.constant 0 : i32
      %dma_start3A_22 = tpu.memref_slice %arg3[%add3A, %dma_start3A_20, %dma_start3A_21] : memref<32x80x128xi32, #tpu.memory_space<hbm>> -> memref<1x16x128xi32, #tpu.memory_space<hbm>>
      %dma_start3A_23 = tpu.memref_squeeze %dma_start3A_22 : memref<1x16x128xi32, #tpu.memory_space<hbm>> -> memref<16x128xi32, #tpu.memory_space<hbm>>
      %dma_start3A_24 = arith.constant 0 : i32
      %dma_start3A_25 = arith.constant 0 : i32
      %dma_start3A_26 = tpu.memref_slice %arg8[%run_scoped3A_5, %dma_start3A_24, %dma_start3A_25] : memref<2x16x128xi32, #tpu.memory_space<vmem>> -> memref<1x16x128xi32, #tpu.memory_space<vmem>>
      %dma_start3A_27 = tpu.memref_squeeze %dma_start3A_26 : memref<1x16x128xi32, #tpu.memory_space<vmem>> -> memref<16x128xi32, #tpu.memory_space<vmem>>
      %dma_start3A_28 = arith.constant 0 : i32
      %dma_start3A_29 = arith.constant 0 : i32
      %dma_start3A_30 = tpu.memref_slice %arg3[%add3A, %dma_start3A_28, %dma_start3A_29] : memref<32x80x128xi32, #tpu.memory_space<hbm>> -> memref<1x16x128xi32, #tpu.memory_space<hbm>>
      %dma_start3A_31 = tpu.memref_squeeze %dma_start3A_30 : memref<1x16x128xi32, #tpu.memory_space<hbm>> -> memref<16x128xi32, #tpu.memory_space<hbm>>
      tpu.enqueue_dma source(%dma_start3A_31 : memref<16x128xi32, #tpu.memory_space<hbm>>) target(%dma_start3A_27 : memref<16x128xi32, #tpu.memory_space<vmem>>) target_semaphore(%run_scoped3A_16 : memref<!tpu.dma_semaphore, #tpu.memory_space<semaphore_mem>>)
      %dma_wait3A = arith.constant 0 : i32
      %dma_wait3A_32 = arith.constant 0 : i32
      %dma_wait3A_33 = tpu.memref_slice %arg8[%run_scoped3A_5, %dma_wait3A, %dma_wait3A_32] : memref<2x16x128xi32, #tpu.memory_space<vmem>> -> memref<1x16x128xi32, #tpu.memory_space<vmem>>
      %dma_wait3A_34 = tpu.memref_squeeze %dma_wait3A_33 : memref<1x16x128xi32, #tpu.memory_space<vmem>> -> memref<16x128xi32, #tpu.memory_space<vmem>>
      %dma_wait3A_35 = arith.constant 0 : i32
      %dma_wait3A_36 = arith.constant 0 : i32
      %dma_wait3A_37 = tpu.memref_slice %arg3[%add3A, %dma_wait3A_35, %dma_wait3A_36] : memref<32x80x128xi32, #tpu.memory_space<hbm>> -> memref<1x16x128xi32, #tpu.memory_space<hbm>>
      %dma_wait3A_38 = tpu.memref_squeeze %dma_wait3A_37 : memref<1x16x128xi32, #tpu.memory_space<hbm>> -> memref<16x128xi32, #tpu.memory_space<hbm>>
      %dma_wait3A_39 = arith.constant 0 : i32
      %dma_wait3A_40 = arith.constant 0 : i32
      %dma_wait3A_41 = tpu.memref_slice %arg8[%run_scoped3A_5, %dma_wait3A_39, %dma_wait3A_40] : memref<2x16x128xi32, #tpu.memory_space<vmem>> -> memref<1x16x128xi32, #tpu.memory_space<vmem>>
      %dma_wait3A_42 = tpu.memref_squeeze %dma_wait3A_41 : memref<1x16x128xi32, #tpu.memory_space<vmem>> -> memref<16x128xi32, #tpu.memory_space<vmem>>
      %dma_wait3A_43 = arith.constant 0 : i32
      %dma_wait3A_44 = arith.constant 0 : i32
      %dma_wait3A_45 = tpu.memref_slice %arg3[%add3A, %dma_wait3A_43, %dma_wait3A_44] : memref<32x80x128xi32, #tpu.memory_space<hbm>> -> memref<1x16x128xi32, #tpu.memory_space<hbm>>
      %dma_wait3A_46 = tpu.memref_squeeze %dma_wait3A_45 : memref<1x16x128xi32, #tpu.memory_space<hbm>> -> memref<16x128xi32, #tpu.memory_space<hbm>>
      tpu.wait_dma2 semaphore(%run_scoped3A_16 : memref<!tpu.dma_semaphore, #tpu.memory_space<semaphore_mem>>) src(%dma_wait3A_46 : memref<16x128xi32, #tpu.memory_space<hbm>>) dst(%dma_wait3A_42 : memref<16x128xi32, #tpu.memory_space<vmem>>)
      tpu.yield
    }) : () -> ()
    %barrier3A = arith.constant 0 : index
    tpu.barrier barrier_id(%barrier3A)
    %scan3A = arith.constant 0 : i32
    %scan3A_6 = arith.constant 0 : i32
    %scan3A_7 = arith.constant 5 : i32
    %scan3A_8 = arith.addi %scan3A_6, %scan3A_7 : i32
    %scan3A_9 = arith.constant 1 : i32
    scf.for %scan3A_16 = %scan3A_6 to %scan3A_8 step %scan3A_9  : i32 {
      %rem3A = arith.constant 2 : i32
      %rem3A_17 = arith.remsi %scan3A_16, %rem3A : i32
      %gt3A = arith.constant 0 : i32
      %gt3A_18 = arith.cmpi sgt, %scan3A_16, %gt3A : i32
      %convert_element_type3A = arith.extui %gt3A_18 : i1 to i32
      %cond3A = arith.constant 0 : i32
      %cond3A_19 = arith.cmpi ne, %convert_element_type3A, %cond3A : i32
      scf.if %cond3A_19 {
        %mul3A_61 = arith.constant 16 : i32
        %mul3A_62 = arith.muli %scan3A_16, %mul3A_61 : i32
        %dma_wait3A = arith.constant 0 : i32
        %dma_wait3A_63 = arith.constant 0 : i32
        %dma_wait3A_64 = tpu.memref_slice %arg7[%rem3A_17, %dma_wait3A, %dma_wait3A_63] : memref<2x16x128xi32, #tpu.memory_space<vmem>> -> memref<1x16x128xi32, #tpu.memory_space<vmem>>
        %dma_wait3A_65 = tpu.memref_squeeze %dma_wait3A_64 : memref<1x16x128xi32, #tpu.memory_space<vmem>> -> memref<16x128xi32, #tpu.memory_space<vmem>>
        %dma_wait3A_66 = arith.constant 0 : i32
        %dma_wait3A_67 = tpu.memref_slice %arg2[%add3A, %mul3A_62, %dma_wait3A_66] : memref<32x80x128xi32, #tpu.memory_space<hbm>> -> memref<1x16x128xi32, #tpu.memory_space<hbm>>
        %dma_wait3A_68 = tpu.memref_squeeze %dma_wait3A_67 : memref<1x16x128xi32, #tpu.memory_space<hbm>> -> memref<16x128xi32, #tpu.memory_space<hbm>>
        %dma_wait3A_69 = arith.constant 0 : i32
        %dma_wait3A_70 = arith.constant 0 : i32
        %dma_wait3A_71 = tpu.memref_slice %arg7[%rem3A_17, %dma_wait3A_69, %dma_wait3A_70] : memref<2x16x128xi32, #tpu.memory_space<vmem>> -> memref<1x16x128xi32, #tpu.memory_space<vmem>>
        %dma_wait3A_72 = tpu.memref_squeeze %dma_wait3A_71 : memref<1x16x128xi32, #tpu.memory_space<vmem>> -> memref<16x128xi32, #tpu.memory_space<vmem>>
        %dma_wait3A_73 = arith.constant 0 : i32
        %dma_wait3A_74 = tpu.memref_slice %arg2[%add3A, %mul3A_62, %dma_wait3A_73] : memref<32x80x128xi32, #tpu.memory_space<hbm>> -> memref<1x16x128xi32, #tpu.memory_space<hbm>>
        %dma_wait3A_75 = tpu.memref_squeeze %dma_wait3A_74 : memref<1x16x128xi32, #tpu.memory_space<hbm>> -> memref<16x128xi32, #tpu.memory_space<hbm>>
        tpu.wait_dma2 semaphore(%arg12 : memref<!tpu.dma_semaphore, #tpu.memory_space<semaphore_mem>>) src(%dma_wait3A_75 : memref<16x128xi32, #tpu.memory_space<hbm>>) dst(%dma_wait3A_72 : memref<16x128xi32, #tpu.memory_space<vmem>>)
        %mul3A_76 = arith.constant 16 : i32
        %mul3A_77 = arith.muli %scan3A_16, %mul3A_76 : i32
        %dma_wait3A_78 = arith.constant 0 : i32
        %dma_wait3A_79 = arith.constant 0 : i32
        %dma_wait3A_80 = tpu.memref_slice %arg8[%rem3A_17, %dma_wait3A_78, %dma_wait3A_79] : memref<2x16x128xi32, #tpu.memory_space<vmem>> -> memref<1x16x128xi32, #tpu.memory_space<vmem>>
        %dma_wait3A_81 = tpu.memref_squeeze %dma_wait3A_80 : memref<1x16x128xi32, #tpu.memory_space<vmem>> -> memref<16x128xi32, #tpu.memory_space<vmem>>
        %dma_wait3A_82 = arith.constant 0 : i32
        %dma_wait3A_83 = tpu.memref_slice %arg3[%add3A, %mul3A_77, %dma_wait3A_82] : memref<32x80x128xi32, #tpu.memory_space<hbm>> -> memref<1x16x128xi32, #tpu.memory_space<hbm>>
        %dma_wait3A_84 = tpu.memref_squeeze %dma_wait3A_83 : memref<1x16x128xi32, #tpu.memory_space<hbm>> -> memref<16x128xi32, #tpu.memory_space<hbm>>
        %dma_wait3A_85 = arith.constant 0 : i32
        %dma_wait3A_86 = arith.constant 0 : i32
        %dma_wait3A_87 = tpu.memref_slice %arg8[%rem3A_17, %dma_wait3A_85, %dma_wait3A_86] : memref<2x16x128xi32, #tpu.memory_space<vmem>> -> memref<1x16x128xi32, #tpu.memory_space<vmem>>
        %dma_wait3A_88 = tpu.memref_squeeze %dma_wait3A_87 : memref<1x16x128xi32, #tpu.memory_space<vmem>> -> memref<16x128xi32, #tpu.memory_space<vmem>>
        %dma_wait3A_89 = arith.constant 0 : i32
        %dma_wait3A_90 = tpu.memref_slice %arg3[%add3A, %mul3A_77, %dma_wait3A_89] : memref<32x80x128xi32, #tpu.memory_space<hbm>> -> memref<1x16x128xi32, #tpu.memory_space<hbm>>
        %dma_wait3A_91 = tpu.memref_squeeze %dma_wait3A_90 : memref<1x16x128xi32, #tpu.memory_space<hbm>> -> memref<16x128xi32, #tpu.memory_space<hbm>>
        tpu.wait_dma2 semaphore(%arg13 : memref<!tpu.dma_semaphore, #tpu.memory_space<semaphore_mem>>) src(%dma_wait3A_91 : memref<16x128xi32, #tpu.memory_space<hbm>>) dst(%dma_wait3A_88 : memref<16x128xi32, #tpu.memory_space<vmem>>)
      } else {
      }
      %add3A_20 = arith.constant 1 : i32
      %add3A_21 = arith.addi %scan3A_16, %add3A_20 : i32
      %lt3A = arith.constant 5 : i32
      %lt3A_22 = arith.cmpi slt, %add3A_21, %lt3A : i32
      %convert_element_type3A_23 = arith.extui %lt3A_22 : i1 to i32
      %cond3A_24 = arith.constant 0 : i32
      %cond3A_25 = arith.cmpi ne, %convert_element_type3A_23, %cond3A_24 : i32
      scf.if %cond3A_25 {
        %add3A_61 = arith.constant 1 : i32
        %add3A_62 = arith.addi %scan3A_16, %add3A_61 : i32
        %rem3A_63 = arith.constant 2 : i32
        %rem3A_64 = arith.remsi %add3A_62, %rem3A_63 : i32
        %add3A_65 = arith.constant 1 : i32
        %add3A_66 = arith.addi %scan3A_16, %add3A_65 : i32
        %mul3A_67 = arith.constant 16 : i32
        %mul3A_68 = arith.muli %add3A_66, %mul3A_67 : i32
        %dma_start3A_69 = arith.constant 0 : i32
        %dma_start3A_70 = arith.constant 0 : i32
        %dma_start3A_71 = tpu.memref_slice %arg7[%rem3A_64, %dma_start3A_69, %dma_start3A_70] : memref<2x16x128xi32, #tpu.memory_space<vmem>> -> memref<1x16x128xi32, #tpu.memory_space<vmem>>
        %dma_start3A_72 = tpu.memref_squeeze %dma_start3A_71 : memref<1x16x128xi32, #tpu.memory_space<vmem>> -> memref<16x128xi32, #tpu.memory_space<vmem>>
        %dma_start3A_73 = arith.constant 0 : i32
        %dma_start3A_74 = tpu.memref_slice %arg2[%add3A, %mul3A_68, %dma_start3A_73] : memref<32x80x128xi32, #tpu.memory_space<hbm>> -> memref<1x16x128xi32, #tpu.memory_space<hbm>>
        %dma_start3A_75 = tpu.memref_squeeze %dma_start3A_74 : memref<1x16x128xi32, #tpu.memory_space<hbm>> -> memref<16x128xi32, #tpu.memory_space<hbm>>
        %dma_start3A_76 = arith.constant 0 : i32
        %dma_start3A_77 = arith.constant 0 : i32
        %dma_start3A_78 = tpu.memref_slice %arg7[%rem3A_64, %dma_start3A_76, %dma_start3A_77] : memref<2x16x128xi32, #tpu.memory_space<vmem>> -> memref<1x16x128xi32, #tpu.memory_space<vmem>>
        %dma_start3A_79 = tpu.memref_squeeze %dma_start3A_78 : memref<1x16x128xi32, #tpu.memory_space<vmem>> -> memref<16x128xi32, #tpu.memory_space<vmem>>
        %dma_start3A_80 = arith.constant 0 : i32
        %dma_start3A_81 = tpu.memref_slice %arg2[%add3A, %mul3A_68, %dma_start3A_80] : memref<32x80x128xi32, #tpu.memory_space<hbm>> -> memref<1x16x128xi32, #tpu.memory_space<hbm>>
        %dma_start3A_82 = tpu.memref_squeeze %dma_start3A_81 : memref<1x16x128xi32, #tpu.memory_space<hbm>> -> memref<16x128xi32, #tpu.memory_space<hbm>>
        tpu.enqueue_dma source(%dma_start3A_82 : memref<16x128xi32, #tpu.memory_space<hbm>>) target(%dma_start3A_79 : memref<16x128xi32, #tpu.memory_space<vmem>>) target_semaphore(%arg12 : memref<!tpu.dma_semaphore, #tpu.memory_space<semaphore_mem>>)
        %add3A_83 = arith.constant 1 : i32
        %add3A_84 = arith.addi %scan3A_16, %add3A_83 : i32
        %mul3A_85 = arith.constant 16 : i32
        %mul3A_86 = arith.muli %add3A_84, %mul3A_85 : i32
        %dma_start3A_87 = arith.constant 0 : i32
        %dma_start3A_88 = arith.constant 0 : i32
        %dma_start3A_89 = tpu.memref_slice %arg8[%rem3A_64, %dma_start3A_87, %dma_start3A_88] : memref<2x16x128xi32, #tpu.memory_space<vmem>> -> memref<1x16x128xi32, #tpu.memory_space<vmem>>
        %dma_start3A_90 = tpu.memref_squeeze %dma_start3A_89 : memref<1x16x128xi32, #tpu.memory_space<vmem>> -> memref<16x128xi32, #tpu.memory_space<vmem>>
        %dma_start3A_91 = arith.constant 0 : i32
        %dma_start3A_92 = tpu.memref_slice %arg3[%add3A, %mul3A_86, %dma_start3A_91] : memref<32x80x128xi32, #tpu.memory_space<hbm>> -> memref<1x16x128xi32, #tpu.memory_space<hbm>>
        %dma_start3A_93 = tpu.memref_squeeze %dma_start3A_92 : memref<1x16x128xi32, #tpu.memory_space<hbm>> -> memref<16x128xi32, #tpu.memory_space<hbm>>
        %dma_start3A_94 = arith.constant 0 : i32
        %dma_start3A_95 = arith.constant 0 : i32
        %dma_start3A_96 = tpu.memref_slice %arg8[%rem3A_64, %dma_start3A_94, %dma_start3A_95] : memref<2x16x128xi32, #tpu.memory_space<vmem>> -> memref<1x16x128xi32, #tpu.memory_space<vmem>>
        %dma_start3A_97 = tpu.memref_squeeze %dma_start3A_96 : memref<1x16x128xi32, #tpu.memory_space<vmem>> -> memref<16x128xi32, #tpu.memory_space<vmem>>
        %dma_start3A_98 = arith.constant 0 : i32
        %dma_start3A_99 = tpu.memref_slice %arg3[%add3A, %mul3A_86, %dma_start3A_98] : memref<32x80x128xi32, #tpu.memory_space<hbm>> -> memref<1x16x128xi32, #tpu.memory_space<hbm>>
        %dma_start3A_100 = tpu.memref_squeeze %dma_start3A_99 : memref<1x16x128xi32, #tpu.memory_space<hbm>> -> memref<16x128xi32, #tpu.memory_space<hbm>>
        tpu.enqueue_dma source(%dma_start3A_100 : memref<16x128xi32, #tpu.memory_space<hbm>>) target(%dma_start3A_97 : memref<16x128xi32, #tpu.memory_space<vmem>>) target_semaphore(%arg13 : memref<!tpu.dma_semaphore, #tpu.memory_space<semaphore_mem>>)
      } else {
      }
      %dma_start3A = arith.constant 0 : i32
      %dma_start3A_26 = arith.constant 0 : i32
      %dma_start3A_27 = arith.constant 0 : i32
      %dma_start3A_28 = arith.constant 0 : i32
      %dma_start3A_29 = arith.constant 0 : i32
      %dma_start3A_30 = tpu.memref_slice %arg9[%dma_start3A_26, %dma_start3A_28, %dma_start3A_29] : memref<2x128x128xf32, #tpu.memory_space<vmem>> -> memref<1x128x128xf32, #tpu.memory_space<vmem>>
      %dma_start3A_31 = tpu.memref_squeeze %dma_start3A_30 : memref<1x128x128xf32, #tpu.memory_space<vmem>> -> memref<128x128xf32, #tpu.memory_space<vmem>>
      %dma_start3A_32 = arith.constant 0 : i32
      %dma_start3A_33 = tpu.memref_slice %arg7[%rem3A_17, %dma_start3A, %dma_start3A_32] : memref<2x16x128xi32, #tpu.memory_space<vmem>> -> memref<1x1x128xi32, #tpu.memory_space<vmem>>
      %dma_start3A_34 = tpu.memref_squeeze %dma_start3A_33 : memref<1x1x128xi32, #tpu.memory_space<vmem>> -> memref<128xi32, #tpu.memory_space<vmem>>
      %dma_start3A_35 = arith.constant 0 : i32
      %dma_start3A_36 = arith.constant 0 : i32
      %dma_start3A_37 = tpu.memref_slice %arg4[%dma_start3A_35, %dma_start3A_36] : memref<10000x128xf32, #tpu.memory_space<hbm>> -> memref<10000x128xf32, #tpu.memory_space<hbm>>
      %dma_start3A_38 = tpu.memref_slice %arg11[%dma_start3A_27] : memref<2x!tpu.dma_semaphore, #tpu.memory_space<semaphore_mem>> -> memref<1x!tpu.dma_semaphore, #tpu.memory_space<semaphore_mem>>
      %dma_start3A_39 = tpu.memref_squeeze %dma_start3A_38 : memref<1x!tpu.dma_semaphore, #tpu.memory_space<semaphore_mem>> -> memref<!tpu.dma_semaphore, #tpu.memory_space<semaphore_mem>>
      tpu.enqueue_indirect_dma source(%dma_start3A_37 : memref<10000x128xf32, #tpu.memory_space<hbm>>) target(%dma_start3A_31 : memref<128x128xf32, #tpu.memory_space<vmem>>) offsets(%dma_start3A_34 : memref<128xi32, #tpu.memory_space<vmem>>) semaphore(%dma_start3A_39 : memref<!tpu.dma_semaphore, #tpu.memory_space<semaphore_mem>>)
      %dma_start3A_40 = arith.constant 1 : i32
      %dma_start3A_41 = arith.constant 1 : i32
      %dma_start3A_42 = arith.constant 1 : i32
      %dma_start3A_43 = arith.constant 0 : i32
      %dma_start3A_44 = arith.constant 0 : i32
      %dma_start3A_45 = tpu.memref_slice %arg9[%dma_start3A_41, %dma_start3A_43, %dma_start3A_44] : memref<2x128x128xf32, #tpu.memory_space<vmem>> -> memref<1x128x128xf32, #tpu.memory_space<vmem>>
      %dma_start3A_46 = tpu.memref_squeeze %dma_start3A_45 : memref<1x128x128xf32, #tpu.memory_space<vmem>> -> memref<128x128xf32, #tpu.memory_space<vmem>>
      %dma_start3A_47 = arith.constant 0 : i32
      %dma_start3A_48 = tpu.memref_slice %arg7[%rem3A_17, %dma_start3A_40, %dma_start3A_47] : memref<2x16x128xi32, #tpu.memory_space<vmem>> -> memref<1x1x128xi32, #tpu.memory_space<vmem>>
      %dma_start3A_49 = tpu.memref_squeeze %dma_start3A_48 : memref<1x1x128xi32, #tpu.memory_space<vmem>> -> memref<128xi32, #tpu.memory_space<vmem>>
      %dma_start3A_50 = arith.constant 0 : i32
      %dma_start3A_51 = arith.constant 0 : i32
      %dma_start3A_52 = tpu.memref_slice %arg4[%dma_start3A_50, %dma_start3A_51] : memref<10000x128xf32, #tpu.memory_space<hbm>> -> memref<10000x128xf32, #tpu.memory_space<hbm>>
      %dma_start3A_53 = tpu.memref_slice %arg11[%dma_start3A_42] : memref<2x!tpu.dma_semaphore, #tpu.memory_space<semaphore_mem>> -> memref<1x!tpu.dma_semaphore, #tpu.memory_space<semaphore_mem>>
      %dma_start3A_54 = tpu.memref_squeeze %dma_start3A_53 : memref<1x!tpu.dma_semaphore, #tpu.memory_space<semaphore_mem>> -> memref<!tpu.dma_semaphore, #tpu.memory_space<semaphore_mem>>
      tpu.enqueue_indirect_dma source(%dma_start3A_52 : memref<10000x128xf32, #tpu.memory_space<hbm>>) target(%dma_start3A_46 : memref<128x128xf32, #tpu.memory_space<vmem>>) offsets(%dma_start3A_49 : memref<128xi32, #tpu.memory_space<vmem>>) semaphore(%dma_start3A_54 : memref<!tpu.dma_semaphore, #tpu.memory_space<semaphore_mem>>)
      %scan3A_55 = arith.constant 0 : i32
      %scan3A_56 = arith.constant 0 : i32
      %scan3A_57 = arith.constant 8 : i32
      %scan3A_58 = arith.addi %scan3A_56, %scan3A_57 : i32
      %scan3A_59 = arith.constant 1 : i32
      scf.for %scan3A_61 = %scan3A_56 to %scan3A_58 step %scan3A_59  : i32 {
        %mul3A_62 = arith.constant 2 : i32
        %mul3A_63 = arith.muli %scan3A_61, %mul3A_62 : i32
        %add3A_64 = arith.constant 0 : i32
        %add3A_65 = arith.addi %mul3A_63, %add3A_64 : i32
        %dma_wait3A = arith.constant 0 : i32
        %dma_wait3A_66 = arith.constant 0 : i32
        %dma_wait3A_67 = arith.constant 0 : i32
        %dma_wait3A_68 = arith.constant 0 : i32
        %dma_wait3A_69 = tpu.memref_slice %arg9[%dma_wait3A, %dma_wait3A_67, %dma_wait3A_68] : memref<2x128x128xf32, #tpu.memory_space<vmem>> -> memref<1x128x128xf32, #tpu.memory_space<vmem>>
        %dma_wait3A_70 = tpu.memref_squeeze %dma_wait3A_69 : memref<1x128x128xf32, #tpu.memory_space<vmem>> -> memref<128x128xf32, #tpu.memory_space<vmem>>
        %dma_wait3A_71 = arith.constant 0 : i32
        %dma_wait3A_72 = tpu.memref_slice %arg7[%rem3A_17, %add3A_65, %dma_wait3A_71] : memref<2x16x128xi32, #tpu.memory_space<vmem>> -> memref<1x1x128xi32, #tpu.memory_space<vmem>>
        %dma_wait3A_73 = tpu.memref_squeeze %dma_wait3A_72 : memref<1x1x128xi32, #tpu.memory_space<vmem>> -> memref<128xi32, #tpu.memory_space<vmem>>
        %dma_wait3A_74 = arith.constant 0 : i32
        %dma_wait3A_75 = arith.constant 0 : i32
        %dma_wait3A_76 = tpu.memref_slice %arg4[%dma_wait3A_74, %dma_wait3A_75] : memref<10000x128xf32, #tpu.memory_space<hbm>> -> memref<10000x128xf32, #tpu.memory_space<hbm>>
        %dma_wait3A_77 = tpu.memref_slice %arg11[%dma_wait3A_66] : memref<2x!tpu.dma_semaphore, #tpu.memory_space<semaphore_mem>> -> memref<1x!tpu.dma_semaphore, #tpu.memory_space<semaphore_mem>>
        %dma_wait3A_78 = tpu.memref_squeeze %dma_wait3A_77 : memref<1x!tpu.dma_semaphore, #tpu.memory_space<semaphore_mem>> -> memref<!tpu.dma_semaphore, #tpu.memory_space<semaphore_mem>>
        tpu.wait_indirect_dma semaphore(%dma_wait3A_78 : memref<!tpu.dma_semaphore, #tpu.memory_space<semaphore_mem>>) src(%dma_wait3A_76 : memref<10000x128xf32, #tpu.memory_space<hbm>>) dst(%dma_wait3A_70 : memref<128x128xf32, #tpu.memory_space<vmem>>)
        %run_scoped3A_79 = arith.constant 0 : i32
        "tpu.region"() ({
          %run_scoped3A_109 = tpu.sem_alloc : memref<!tpu.dma_semaphore, #tpu.memory_space<semaphore_mem>>
          %dma_start3A_110 = arith.constant 0 : i32
          %dma_start3A_111 = arith.constant 0 : i32
          %dma_start3A_112 = tpu.memref_slice %arg9[%run_scoped3A_79, %dma_start3A_110, %dma_start3A_111] : memref<2x128x128xf32, #tpu.memory_space<vmem>> -> memref<1x128x128xf32, #tpu.memory_space<vmem>>
          %dma_start3A_113 = tpu.memref_squeeze %dma_start3A_112 : memref<1x128x128xf32, #tpu.memory_space<vmem>> -> memref<128x128xf32, #tpu.memory_space<vmem>>
          %dma_start3A_114 = arith.constant 0 : i32
          %dma_start3A_115 = tpu.memref_slice %arg8[%rem3A_17, %add3A_65, %dma_start3A_114] : memref<2x16x128xi32, #tpu.memory_space<vmem>> -> memref<1x1x128xi32, #tpu.memory_space<vmem>>
          %dma_start3A_116 = tpu.memref_squeeze %dma_start3A_115 : memref<1x1x128xi32, #tpu.memory_space<vmem>> -> memref<128xi32, #tpu.memory_space<vmem>>
          %dma_start3A_117 = arith.constant 0 : i32
          %dma_start3A_118 = arith.constant 0 : i32
          %dma_start3A_119 = tpu.memref_slice %arg10[%dma_start3A_117, %dma_start3A_118] : memref<10112x128xf32, #tpu.memory_space<vmem_shared>> -> memref<10112x128xf32, #tpu.memory_space<vmem_shared>>
          tpu.enqueue_indirect_dma source(%dma_start3A_113 : memref<128x128xf32, #tpu.memory_space<vmem>>) target(%dma_start3A_119 : memref<10112x128xf32, #tpu.memory_space<vmem_shared>>) offsets(%dma_start3A_116 : memref<128xi32, #tpu.memory_space<vmem>>) semaphore(%run_scoped3A_109 : memref<!tpu.dma_semaphore, #tpu.memory_space<semaphore_mem>>) {add = true}
          %dma_wait3A_120 = arith.constant 0 : i32
          %dma_wait3A_121 = arith.constant 0 : i32
          %dma_wait3A_122 = tpu.memref_slice %arg9[%run_scoped3A_79, %dma_wait3A_120, %dma_wait3A_121] : memref<2x128x128xf32, #tpu.memory_space<vmem>> -> memref<1x128x128xf32, #tpu.memory_space<vmem>>
          %dma_wait3A_123 = tpu.memref_squeeze %dma_wait3A_122 : memref<1x128x128xf32, #tpu.memory_space<vmem>> -> memref<128x128xf32, #tpu.memory_space<vmem>>
          %dma_wait3A_124 = arith.constant 0 : i32
          %dma_wait3A_125 = tpu.memref_slice %arg8[%rem3A_17, %add3A_65, %dma_wait3A_124] : memref<2x16x128xi32, #tpu.memory_space<vmem>> -> memref<1x1x128xi32, #tpu.memory_space<vmem>>
          %dma_wait3A_126 = tpu.memref_squeeze %dma_wait3A_125 : memref<1x1x128xi32, #tpu.memory_space<vmem>> -> memref<128xi32, #tpu.memory_space<vmem>>
          %dma_wait3A_127 = arith.constant 0 : i32
          %dma_wait3A_128 = arith.constant 0 : i32
          %dma_wait3A_129 = tpu.memref_slice %arg10[%dma_wait3A_127, %dma_wait3A_128] : memref<10112x128xf32, #tpu.memory_space<vmem_shared>> -> memref<10112x128xf32, #tpu.memory_space<vmem_shared>>
          tpu.wait_indirect_dma semaphore(%run_scoped3A_109 : memref<!tpu.dma_semaphore, #tpu.memory_space<semaphore_mem>>) src(%dma_wait3A_123 : memref<128x128xf32, #tpu.memory_space<vmem>>) dst(%dma_wait3A_129 : memref<10112x128xf32, #tpu.memory_space<vmem_shared>>)
          tpu.yield
        }) : () -> ()
        %lt3A_80 = arith.constant 7 : i32
        %lt3A_81 = arith.cmpi slt, %scan3A_61, %lt3A_80 : i32
        %convert_element_type3A_82 = arith.extui %lt3A_81 : i1 to i32
        %cond3A_83 = arith.constant 0 : i32
        %cond3A_84 = arith.cmpi ne, %convert_element_type3A_82, %cond3A_83 : i32
        scf.if %cond3A_84 {
          %add3A_109 = arith.constant 2 : i32
          %add3A_110 = arith.addi %add3A_65, %add3A_109 : i32
          %dma_start3A_111 = arith.constant 0 : i32
          %dma_start3A_112 = arith.constant 0 : i32
          %dma_start3A_113 = arith.constant 0 : i32
          %dma_start3A_114 = arith.constant 0 : i32
          %dma_start3A_115 = tpu.memref_slice %arg9[%dma_start3A_111, %dma_start3A_113, %dma_start3A_114] : memref<2x128x128xf32, #tpu.memory_space<vmem>> -> memref<1x128x128xf32, #tpu.memory_space<vmem>>
          %dma_start3A_116 = tpu.memref_squeeze %dma_start3A_115 : memref<1x128x128xf32, #tpu.memory_space<vmem>> -> memref<128x128xf32, #tpu.memory_space<vmem>>
          %dma_start3A_117 = arith.constant 0 : i32
          %dma_start3A_118 = tpu.memref_slice %arg7[%rem3A_17, %add3A_110, %dma_start3A_117] : memref<2x16x128xi32, #tpu.memory_space<vmem>> -> memref<1x1x128xi32, #tpu.memory_space<vmem>>
          %dma_start3A_119 = tpu.memref_squeeze %dma_start3A_118 : memref<1x1x128xi32, #tpu.memory_space<vmem>> -> memref<128xi32, #tpu.memory_space<vmem>>
          %dma_start3A_120 = arith.constant 0 : i32
          %dma_start3A_121 = arith.constant 0 : i32
          %dma_start3A_122 = tpu.memref_slice %arg4[%dma_start3A_120, %dma_start3A_121] : memref<10000x128xf32, #tpu.memory_space<hbm>> -> memref<10000x128xf32, #tpu.memory_space<hbm>>
          %dma_start3A_123 = tpu.memref_slice %arg11[%dma_start3A_112] : memref<2x!tpu.dma_semaphore, #tpu.memory_space<semaphore_mem>> -> memref<1x!tpu.dma_semaphore, #tpu.memory_space<semaphore_mem>>
          %dma_start3A_124 = tpu.memref_squeeze %dma_start3A_123 : memref<1x!tpu.dma_semaphore, #tpu.memory_space<semaphore_mem>> -> memref<!tpu.dma_semaphore, #tpu.memory_space<semaphore_mem>>
          tpu.enqueue_indirect_dma source(%dma_start3A_122 : memref<10000x128xf32, #tpu.memory_space<hbm>>) target(%dma_start3A_116 : memref<128x128xf32, #tpu.memory_space<vmem>>) offsets(%dma_start3A_119 : memref<128xi32, #tpu.memory_space<vmem>>) semaphore(%dma_start3A_124 : memref<!tpu.dma_semaphore, #tpu.memory_space<semaphore_mem>>)
        } else {
        }
        %mul3A_85 = arith.constant 2 : i32
        %mul3A_86 = arith.muli %scan3A_61, %mul3A_85 : i32
        %add3A_87 = arith.constant 1 : i32
        %add3A_88 = arith.addi %mul3A_86, %add3A_87 : i32
        %dma_wait3A_89 = arith.constant 1 : i32
        %dma_wait3A_90 = arith.constant 1 : i32
        %dma_wait3A_91 = arith.constant 0 : i32
        %dma_wait3A_92 = arith.constant 0 : i32
        %dma_wait3A_93 = tpu.memref_slice %arg9[%dma_wait3A_89, %dma_wait3A_91, %dma_wait3A_92] : memref<2x128x128xf32, #tpu.memory_space<vmem>> -> memref<1x128x128xf32, #tpu.memory_space<vmem>>
        %dma_wait3A_94 = tpu.memref_squeeze %dma_wait3A_93 : memref<1x128x128xf32, #tpu.memory_space<vmem>> -> memref<128x128xf32, #tpu.memory_space<vmem>>
        %dma_wait3A_95 = arith.constant 0 : i32
        %dma_wait3A_96 = tpu.memref_slice %arg7[%rem3A_17, %add3A_88, %dma_wait3A_95] : memref<2x16x128xi32, #tpu.memory_space<vmem>> -> memref<1x1x128xi32, #tpu.memory_space<vmem>>
        %dma_wait3A_97 = tpu.memref_squeeze %dma_wait3A_96 : memref<1x1x128xi32, #tpu.memory_space<vmem>> -> memref<128xi32, #tpu.memory_space<vmem>>
        %dma_wait3A_98 = arith.constant 0 : i32
        %dma_wait3A_99 = arith.constant 0 : i32
        %dma_wait3A_100 = tpu.memref_slice %arg4[%dma_wait3A_98, %dma_wait3A_99] : memref<10000x128xf32, #tpu.memory_space<hbm>> -> memref<10000x128xf32, #tpu.memory_space<hbm>>
        %dma_wait3A_101 = tpu.memref_slice %arg11[%dma_wait3A_90] : memref<2x!tpu.dma_semaphore, #tpu.memory_space<semaphore_mem>> -> memref<1x!tpu.dma_semaphore, #tpu.memory_space<semaphore_mem>>
        %dma_wait3A_102 = tpu.memref_squeeze %dma_wait3A_101 : memref<1x!tpu.dma_semaphore, #tpu.memory_space<semaphore_mem>> -> memref<!tpu.dma_semaphore, #tpu.memory_space<semaphore_mem>>
        tpu.wait_indirect_dma semaphore(%dma_wait3A_102 : memref<!tpu.dma_semaphore, #tpu.memory_space<semaphore_mem>>) src(%dma_wait3A_100 : memref<10000x128xf32, #tpu.memory_space<hbm>>) dst(%dma_wait3A_94 : memref<128x128xf32, #tpu.memory_space<vmem>>)
        %run_scoped3A_103 = arith.constant 1 : i32
        "tpu.region"() ({
          %run_scoped3A_109 = tpu.sem_alloc : memref<!tpu.dma_semaphore, #tpu.memory_space<semaphore_mem>>
          %dma_start3A_110 = arith.constant 0 : i32
          %dma_start3A_111 = arith.constant 0 : i32
          %dma_start3A_112 = tpu.memref_slice %arg9[%run_scoped3A_103, %dma_start3A_110, %dma_start3A_111] : memref<2x128x128xf32, #tpu.memory_space<vmem>> -> memref<1x128x128xf32, #tpu.memory_space<vmem>>
          %dma_start3A_113 = tpu.memref_squeeze %dma_start3A_112 : memref<1x128x128xf32, #tpu.memory_space<vmem>> -> memref<128x128xf32, #tpu.memory_space<vmem>>
          %dma_start3A_114 = arith.constant 0 : i32
          %dma_start3A_115 = tpu.memref_slice %arg8[%rem3A_17, %add3A_88, %dma_start3A_114] : memref<2x16x128xi32, #tpu.memory_space<vmem>> -> memref<1x1x128xi32, #tpu.memory_space<vmem>>
          %dma_start3A_116 = tpu.memref_squeeze %dma_start3A_115 : memref<1x1x128xi32, #tpu.memory_space<vmem>> -> memref<128xi32, #tpu.memory_space<vmem>>
          %dma_start3A_117 = arith.constant 0 : i32
          %dma_start3A_118 = arith.constant 0 : i32
          %dma_start3A_119 = tpu.memref_slice %arg10[%dma_start3A_117, %dma_start3A_118] : memref<10112x128xf32, #tpu.memory_space<vmem_shared>> -> memref<10112x128xf32, #tpu.memory_space<vmem_shared>>
          tpu.enqueue_indirect_dma source(%dma_start3A_113 : memref<128x128xf32, #tpu.memory_space<vmem>>) target(%dma_start3A_119 : memref<10112x128xf32, #tpu.memory_space<vmem_shared>>) offsets(%dma_start3A_116 : memref<128xi32, #tpu.memory_space<vmem>>) semaphore(%run_scoped3A_109 : memref<!tpu.dma_semaphore, #tpu.memory_space<semaphore_mem>>) {add = true}
          %dma_wait3A_120 = arith.constant 0 : i32
          %dma_wait3A_121 = arith.constant 0 : i32
          %dma_wait3A_122 = tpu.memref_slice %arg9[%run_scoped3A_103, %dma_wait3A_120, %dma_wait3A_121] : memref<2x128x128xf32, #tpu.memory_space<vmem>> -> memref<1x128x128xf32, #tpu.memory_space<vmem>>
          %dma_wait3A_123 = tpu.memref_squeeze %dma_wait3A_122 : memref<1x128x128xf32, #tpu.memory_space<vmem>> -> memref<128x128xf32, #tpu.memory_space<vmem>>
          %dma_wait3A_124 = arith.constant 0 : i32
          %dma_wait3A_125 = tpu.memref_slice %arg8[%rem3A_17, %add3A_88, %dma_wait3A_124] : memref<2x16x128xi32, #tpu.memory_space<vmem>> -> memref<1x1x128xi32, #tpu.memory_space<vmem>>
          %dma_wait3A_126 = tpu.memref_squeeze %dma_wait3A_125 : memref<1x1x128xi32, #tpu.memory_space<vmem>> -> memref<128xi32, #tpu.memory_space<vmem>>
          %dma_wait3A_127 = arith.constant 0 : i32
          %dma_wait3A_128 = arith.constant 0 : i32
          %dma_wait3A_129 = tpu.memref_slice %arg10[%dma_wait3A_127, %dma_wait3A_128] : memref<10112x128xf32, #tpu.memory_space<vmem_shared>> -> memref<10112x128xf32, #tpu.memory_space<vmem_shared>>
          tpu.wait_indirect_dma semaphore(%run_scoped3A_109 : memref<!tpu.dma_semaphore, #tpu.memory_space<semaphore_mem>>) src(%dma_wait3A_123 : memref<128x128xf32, #tpu.memory_space<vmem>>) dst(%dma_wait3A_129 : memref<10112x128xf32, #tpu.memory_space<vmem_shared>>)
          tpu.yield
        }) : () -> ()
        %lt3A_104 = arith.constant 7 : i32
        %lt3A_105 = arith.cmpi slt, %scan3A_61, %lt3A_104 : i32
        %convert_element_type3A_106 = arith.extui %lt3A_105 : i1 to i32
        %cond3A_107 = arith.constant 0 : i32
        %cond3A_108 = arith.cmpi ne, %convert_element_type3A_106, %cond3A_107 : i32
        scf.if %cond3A_108 {
          %add3A_109 = arith.constant 2 : i32
          %add3A_110 = arith.addi %add3A_88, %add3A_109 : i32
          %dma_start3A_111 = arith.constant 1 : i32
          %dma_start3A_112 = arith.constant 1 : i32
          %dma_start3A_113 = arith.constant 0 : i32
          %dma_start3A_114 = arith.constant 0 : i32
          %dma_start3A_115 = tpu.memref_slice %arg9[%dma_start3A_111, %dma_start3A_113, %dma_start3A_114] : memref<2x128x128xf32, #tpu.memory_space<vmem>> -> memref<1x128x128xf32, #tpu.memory_space<vmem>>
          %dma_start3A_116 = tpu.memref_squeeze %dma_start3A_115 : memref<1x128x128xf32, #tpu.memory_space<vmem>> -> memref<128x128xf32, #tpu.memory_space<vmem>>
          %dma_start3A_117 = arith.constant 0 : i32
          %dma_start3A_118 = tpu.memref_slice %arg7[%rem3A_17, %add3A_110, %dma_start3A_117] : memref<2x16x128xi32, #tpu.memory_space<vmem>> -> memref<1x1x128xi32, #tpu.memory_space<vmem>>
          %dma_start3A_119 = tpu.memref_squeeze %dma_start3A_118 : memref<1x1x128xi32, #tpu.memory_space<vmem>> -> memref<128xi32, #tpu.memory_space<vmem>>
          %dma_start3A_120 = arith.constant 0 : i32
          %dma_start3A_121 = arith.constant 0 : i32
          %dma_start3A_122 = tpu.memref_slice %arg4[%dma_start3A_120, %dma_start3A_121] : memref<10000x128xf32, #tpu.memory_space<hbm>> -> memref<10000x128xf32, #tpu.memory_space<hbm>>
          %dma_start3A_123 = tpu.memref_slice %arg11[%dma_start3A_112] : memref<2x!tpu.dma_semaphore, #tpu.memory_space<semaphore_mem>> -> memref<1x!tpu.dma_semaphore, #tpu.memory_space<semaphore_mem>>
          %dma_start3A_124 = tpu.memref_squeeze %dma_start3A_123 : memref<1x!tpu.dma_semaphore, #tpu.memory_space<semaphore_mem>> -> memref<!tpu.dma_semaphore, #tpu.memory_space<semaphore_mem>>
          tpu.enqueue_indirect_dma source(%dma_start3A_122 : memref<10000x128xf32, #tpu.memory_space<hbm>>) target(%dma_start3A_116 : memref<128x128xf32, #tpu.memory_space<vmem>>) offsets(%dma_start3A_119 : memref<128xi32, #tpu.memory_space<vmem>>) semaphore(%dma_start3A_124 : memref<!tpu.dma_semaphore, #tpu.memory_space<semaphore_mem>>)
        } else {
        }
      }
      %scan3A_60 = arith.constant 8 : i32
    }
    %scan3A_10 = arith.constant 5 : i32
    %barrier3A_11 = arith.constant 0 : index
    tpu.barrier barrier_id(%barrier3A_11)
    %mul3A_12 = arith.constant 632 : i32
    %mul3A_13 = arith.muli %arg1, %mul3A_12 : i32
    %mul3A_14 = arith.constant 632 : i32
    %mul3A_15 = arith.muli %arg1, %mul3A_14 : i32
    "tpu.region"() ({
      %run_scoped3A_16 = tpu.sem_alloc : memref<!tpu.dma_semaphore, #tpu.memory_space<semaphore_mem>>
      %dma_start3A = arith.constant 0 : i32
      %dma_start3A_17 = tpu.memref_slice %arg6[%arg0, %mul3A_15, %dma_start3A] : memref<2x10112x128xf32, #tpu.memory_space<hbm>> -> memref<1x632x128xf32, #tpu.memory_space<hbm>>
      %dma_start3A_18 = tpu.memref_squeeze %dma_start3A_17 : memref<1x632x128xf32, #tpu.memory_space<hbm>> -> memref<632x128xf32, #tpu.memory_space<hbm>>
      %dma_start3A_19 = arith.constant 0 : i32
      %dma_start3A_20 = tpu.memref_slice %arg10[%mul3A_13, %dma_start3A_19] : memref<10112x128xf32, #tpu.memory_space<vmem_shared>> -> memref<632x128xf32, #tpu.memory_space<vmem_shared>>
      tpu.enqueue_dma source(%dma_start3A_20 : memref<632x128xf32, #tpu.memory_space<vmem_shared>>) target(%dma_start3A_18 : memref<632x128xf32, #tpu.memory_space<hbm>>) target_semaphore(%run_scoped3A_16 : memref<!tpu.dma_semaphore, #tpu.memory_space<semaphore_mem>>)
      %dma_wait3A = arith.constant 0 : i32
      %dma_wait3A_21 = tpu.memref_slice %arg6[%arg0, %mul3A_15, %dma_wait3A] : memref<2x10112x128xf32, #tpu.memory_space<hbm>> -> memref<1x632x128xf32, #tpu.memory_space<hbm>>
      %dma_wait3A_22 = tpu.memref_squeeze %dma_wait3A_21 : memref<1x632x128xf32, #tpu.memory_space<hbm>> -> memref<632x128xf32, #tpu.memory_space<hbm>>
      %dma_wait3A_23 = arith.constant 0 : i32
      %dma_wait3A_24 = tpu.memref_slice %arg10[%mul3A_13, %dma_wait3A_23] : memref<10112x128xf32, #tpu.memory_space<vmem_shared>> -> memref<632x128xf32, #tpu.memory_space<vmem_shared>>
      tpu.wait_dma2 semaphore(%run_scoped3A_16 : memref<!tpu.dma_semaphore, #tpu.memory_space<semaphore_mem>>) src(%dma_wait3A_24 : memref<632x128xf32, #tpu.memory_space<vmem_shared>>) dst(%dma_wait3A_22 : memref<632x128xf32, #tpu.memory_space<hbm>>)
      tpu.yield
    }) : () -> ()
    return
  }
}

module attributes {stable_mosaic.version = 14 : i64} {
  func.func @_scale_body(%arg0: i32, %arg1: memref<2x1000x128xf32, #tpu.memory_space<vmem>>, %arg2: memref<1000x128xf32, #tpu.memory_space<vmem>>, %arg3: memref<1000x128xf32, #tpu.memory_space<vmem>>) attributes {dimension_semantics = [#tpu.dimension_semantics<arbitrary>], iteration_bounds = array<i64: 10>, scalar_prefetch = 0 : i64, scratch_operands = 0 : i64, tpu.core_type = #tpu.core_type<tc>, window_params = [{transform_indices = @transform_0, window_bounds = array<i64: 2, 1000, 128>}, {transform_indices = @transform_1, window_bounds = array<i64: 1000, 128>}, {transform_indices = @transform_2, window_bounds = array<i64: 1000, 128>}]} {
    %get3A = arith.constant 0 : index
    %get3A_0 = arith.constant 0 : index
    %get3A_1 = vector.load %arg2[%get3A, %get3A_0] : memref<1000x128xf32, #tpu.memory_space<vmem>>, vector<1000x128xf32>
    %get3A_2 = arith.constant 0 : index
    %get3A_3 = arith.constant 0 : index
    %get3A_4 = arith.constant 0 : index
    %get3A_5 = vector.load %arg1[%get3A_2, %get3A_3, %get3A_4] : memref<2x1000x128xf32, #tpu.memory_space<vmem>>, vector<1x1000x1xf32>
    %get3A_6 = vector.shape_cast %get3A_5 : vector<1x1000x1xf32> to vector<1000x1xf32>
    %get3A_7 = arith.constant 1 : index
    %get3A_8 = arith.constant 0 : index
    %get3A_9 = arith.constant 0 : index
    %get3A_10 = vector.load %arg1[%get3A_7, %get3A_8, %get3A_9] : memref<2x1000x128xf32, #tpu.memory_space<vmem>>, vector<1x1000x1xf32>
    %get3A_11 = vector.shape_cast %get3A_10 : vector<1x1000x1xf32> to vector<1000x1xf32>
    %add3A = arith.addf %get3A_6, %get3A_11 : vector<1000x1xf32>
    %add3A_12 = arith.constant 1.000000e+00 : f32
    %add3A_13 = vector.broadcast %add3A_12 : f32 to vector<1000x1xf32>
    %add3A_14 = arith.addf %add3A, %add3A_13 : vector<1000x1xf32>
    %rsqrt3A = math.rsqrt %add3A_14 : vector<1000x1xf32>
    %mul3A = vector.broadcast %rsqrt3A : vector<1000x1xf32> to vector<1000x128xf32>
    %mul3A_15 = arith.mulf %get3A_1, %mul3A : vector<1000x128xf32>
    %swap3A = arith.constant 0 : index
    %swap3A_16 = arith.constant 0 : index
    %swap3A_17 = vector.load %arg3[%swap3A, %swap3A_16] : memref<1000x128xf32, #tpu.memory_space<vmem>>, vector<1000x128xf32>
    tpu.vector_store %arg3[%swap3A, %swap3A_16], %mul3A_15 {strides = array<i32>} : memref<1000x128xf32, #tpu.memory_space<vmem>>, vector<1000x128xf32>,
    return
  }
  func.func @transform_0(%arg0: i32) -> (i32, i32, i32) {
    %c0_i32 = arith.constant 0 : i32
    %c0_i32_0 = arith.constant 0 : i32
    %c0_i32_1 = arith.constant 0 : i32
    return %c0_i32, %arg0, %c0_i32_0 : i32, i32, i32
  }
  func.func @transform_1(%arg0: i32) -> (i32, i32) {
    %c0_i32 = arith.constant 0 : i32
    %c0_i32_0 = arith.constant 0 : i32
    return %arg0, %c0_i32 : i32, i32
  }
  func.func @transform_2(%arg0: i32) -> (i32, i32) {
    %c0_i32 = arith.constant 0 : i32
    %c0_i32_0 = arith.constant 0 : i32
    return %arg0, %c0_i32 : i32, i32
  }
}

module attributes {stable_mosaic.version = 14 : i64} {
  func.func @_mid_body(%arg0: i32, %arg1: memref<2x1000x128xf32, #tpu.memory_space<vmem>>, %arg2: memref<2x1000x128xf32, #tpu.memory_space<vmem>>, %arg3: memref<1000x128xf32, #tpu.memory_space<vmem>>, %arg4: memref<128x256xf32, #tpu.memory_space<vmem>>, %arg5: memref<1x256xf32, #tpu.memory_space<vmem>>, %arg6: memref<256x128xf32, #tpu.memory_space<vmem>>, %arg7: memref<1000x128xf32, #tpu.memory_space<vmem>>) attributes {dimension_semantics = [#tpu.dimension_semantics<arbitrary>], iteration_bounds = array<i64: 10>, scalar_prefetch = 0 : i64, scratch_operands = 0 : i64, tpu.core_type = #tpu.core_type<tc>, window_params = [{transform_indices = @transform_0, window_bounds = array<i64: 2, 1000, 128>}, {transform_indices = @transform_1, window_bounds = array<i64: 2, 1000, 128>}, {transform_indices = @transform_2, window_bounds = array<i64: 1000, 128>}, {pipeline_mode = #tpu.pipeline_mode<synchronous>, transform_indices = @transform_3, window_bounds = array<i64: 128, 256>}, {pipeline_mode = #tpu.pipeline_mode<synchronous>, transform_indices = @transform_4, window_bounds = array<i64: 1, 256>}, {pipeline_mode = #tpu.pipeline_mode<synchronous>, transform_indices = @transform_5, window_bounds = array<i64: 256, 128>}, {transform_indices = @transform_6, window_bounds = array<i64: 1000, 128>}]} {
    %get3A = arith.constant 0 : index
    %get3A_0 = arith.constant 0 : index
    %get3A_1 = arith.constant 0 : index
    %get3A_2 = vector.load %arg1[%get3A, %get3A_0, %get3A_1] : memref<2x1000x128xf32, #tpu.memory_space<vmem>>, vector<1x1000x1xf32>
    %get3A_3 = vector.shape_cast %get3A_2 : vector<1x1000x1xf32> to vector<1000x1xf32>
    %get3A_4 = arith.constant 1 : index
    %get3A_5 = arith.constant 0 : index
    %get3A_6 = arith.constant 0 : index
    %get3A_7 = vector.load %arg1[%get3A_4, %get3A_5, %get3A_6] : memref<2x1000x128xf32, #tpu.memory_space<vmem>>, vector<1x1000x1xf32>
    %get3A_8 = vector.shape_cast %get3A_7 : vector<1x1000x1xf32> to vector<1000x1xf32>
    %add3A = arith.addf %get3A_3, %get3A_8 : vector<1000x1xf32>
    %add3A_9 = arith.constant 1.000000e+00 : f32
    %add3A_10 = vector.broadcast %add3A_9 : f32 to vector<1000x1xf32>
    %add3A_11 = arith.addf %add3A, %add3A_10 : vector<1000x1xf32>
    %rsqrt3A = math.rsqrt %add3A_11 : vector<1000x1xf32>
    %get3A_12 = arith.constant 0 : index
    %get3A_13 = arith.constant 0 : index
    %get3A_14 = arith.constant 0 : index
    %get3A_15 = vector.load %arg2[%get3A_12, %get3A_13, %get3A_14] : memref<2x1000x128xf32, #tpu.memory_space<vmem>>, vector<1x1000x128xf32>
    %get3A_16 = vector.shape_cast %get3A_15 : vector<1x1000x128xf32> to vector<1000x128xf32>
    %get3A_17 = arith.constant 1 : index
    %get3A_18 = arith.constant 0 : index
    %get3A_19 = arith.constant 0 : index
    %get3A_20 = vector.load %arg2[%get3A_17, %get3A_18, %get3A_19] : memref<2x1000x128xf32, #tpu.memory_space<vmem>>, vector<1x1000x128xf32>
    %get3A_21 = vector.shape_cast %get3A_20 : vector<1x1000x128xf32> to vector<1000x128xf32>
    %add3A_22 = arith.addf %get3A_16, %get3A_21 : vector<1000x128xf32>
    %get3A_23 = arith.constant 0 : index
    %get3A_24 = arith.constant 0 : index
    %get3A_25 = vector.load %arg3[%get3A_23, %get3A_24] : memref<1000x128xf32, #tpu.memory_space<vmem>>, vector<1000x128xf32>
    %add3A_26 = arith.addf %add3A_22, %get3A_25 : vector<1000x128xf32>
    %mul3A = vector.broadcast %rsqrt3A : vector<1000x1xf32> to vector<1000x128xf32>
    %mul3A_27 = arith.mulf %add3A_26, %mul3A : vector<1000x128xf32>
    %get3A_28 = arith.constant 0 : index
    %get3A_29 = arith.constant 0 : index
    %get3A_30 = vector.load %arg4[%get3A_28, %get3A_29] : memref<128x256xf32, #tpu.memory_space<vmem>>, vector<128x256xf32>
    %dot_general3A = arith.constant dense<0.000000e+00> : vector<1000x256xf32>
    %dot_general3A_31 = tpu.matmul %mul3A_27, %get3A_30, %dot_general3A {dimension_numbers = #tpu.dot_dimension_numbers<[1], [0], [0], [1], [0, 0, 1, 1], [], []>, transpose_lhs_hint = false} : vector<1000x128xf32>, vector<128x256xf32>, vector<1000x256xf32> -> vector<1000x256xf32>
    %get3A_32 = arith.constant 0 : index
    %get3A_33 = arith.constant 0 : index
    %get3A_34 = vector.load %arg5[%get3A_32, %get3A_33] : memref<1x256xf32, #tpu.memory_space<vmem>>, vector<1x256xf32>
    %add3A_35 = vector.broadcast %get3A_34 : vector<1x256xf32> to vector<1000x256xf32>
    %add3A_36 = arith.addf %dot_general3A_31, %add3A_35 : vector<1000x256xf32>
    %max3A = arith.constant 0.000000e+00 : f32
    %max3A_37 = vector.broadcast %max3A : f32 to vector<1000x256xf32>
    %max3A_38 = arith.maximumf %add3A_36, %max3A_37 : vector<1000x256xf32>
    %get3A_39 = arith.constant 0 : index
    %get3A_40 = arith.constant 0 : index
    %get3A_41 = vector.load %arg6[%get3A_39, %get3A_40] : memref<256x128xf32, #tpu.memory_space<vmem>>, vector<256x128xf32>
    %dot_general3A_42 = arith.constant dense<0.000000e+00> : vector<1000x128xf32>
    %dot_general3A_43 = tpu.matmul %max3A_38, %get3A_41, %dot_general3A_42 {dimension_numbers = #tpu.dot_dimension_numbers<[1], [0], [0], [1], [0, 0, 1, 1], [], []>, transpose_lhs_hint = false} : vector<1000x256xf32>, vector<256x128xf32>, vector<1000x128xf32> -> vector<1000x128xf32>
    %mul3A_44 = vector.broadcast %rsqrt3A : vector<1000x1xf32> to vector<1000x128xf32>
    %mul3A_45 = arith.mulf %dot_general3A_43, %mul3A_44 : vector<1000x128xf32>
    %swap3A = arith.constant 0 : index
    %swap3A_46 = arith.constant 0 : index
    %swap3A_47 = vector.load %arg7[%swap3A, %swap3A_46] : memref<1000x128xf32, #tpu.memory_space<vmem>>, vector<1000x128xf32>
    tpu.vector_store %arg7[%swap3A, %swap3A_46], %mul3A_45 {strides = array<i32>} : memref<1000x128xf32, #tpu.memory_space<vmem>>, vector<1000x128xf32>,
    return
  }
  func.func @transform_0(%arg0: i32) -> (i32, i32, i32) {
    %c0_i32 = arith.constant 0 : i32
    %c0_i32_0 = arith.constant 0 : i32
    %c0_i32_1 = arith.constant 0 : i32
    return %c0_i32, %arg0, %c0_i32_0 : i32, i32, i32
  }
  func.func @transform_1(%arg0: i32) -> (i32, i32, i32) {
    %c0_i32 = arith.constant 0 : i32
    %c0_i32_0 = arith.constant 0 : i32
    %c0_i32_1 = arith.constant 0 : i32
    return %c0_i32, %arg0, %c0_i32_0 : i32, i32, i32
  }
  func.func @transform_2(%arg0: i32) -> (i32, i32) {
    %c0_i32 = arith.constant 0 : i32
    %c0_i32_0 = arith.constant 0 : i32
    return %arg0, %c0_i32 : i32, i32
  }
  func.func @transform_3(%arg0: i32) -> (i32, i32) {
    %c0_i32 = arith.constant 0 : i32
    %c0_i32_0 = arith.constant 0 : i32
    %c0_i32_1 = arith.constant 0 : i32
    return %c0_i32, %c0_i32_0 : i32, i32
  }
  func.func @transform_4(%arg0: i32) -> (i32, i32) {
    %c0_i32 = arith.constant 0 : i32
    %c0_i32_0 = arith.constant 0 : i32
    %c0_i32_1 = arith.constant 0 : i32
    return %c0_i32, %c0_i32_0 : i32, i32
  }
  func.func @transform_5(%arg0: i32) -> (i32, i32) {
    %c0_i32 = arith.constant 0 : i32
    %c0_i32_0 = arith.constant 0 : i32
    %c0_i32_1 = arith.constant 0 : i32
    return %c0_i32, %c0_i32_0 : i32, i32
  }
  func.func @transform_6(%arg0: i32) -> (i32, i32) {
    %c0_i32 = arith.constant 0 : i32
    %c0_i32_0 = arith.constant 0 : i32
    return %arg0, %c0_i32 : i32, i32
  }
}

module attributes {stable_mosaic.version = 14 : i64} {
  func.func @_out_body(%arg0: i32, %arg1: memref<2x1000x128xf32, #tpu.memory_space<vmem>>, %arg2: memref<2x1000x128xf32, #tpu.memory_space<vmem>>, %arg3: memref<1000x128xf32, #tpu.memory_space<vmem>>, %arg4: memref<1x128xf32, #tpu.memory_space<vmem>>, %arg5: memref<1000x128xf32, #tpu.memory_space<vmem>>) attributes {dimension_semantics = [#tpu.dimension_semantics<arbitrary>], iteration_bounds = array<i64: 10>, scalar_prefetch = 0 : i64, scratch_operands = 0 : i64, tpu.core_type = #tpu.core_type<tc>, window_params = [{transform_indices = @transform_0, window_bounds = array<i64: 2, 1000, 128>}, {transform_indices = @transform_1, window_bounds = array<i64: 2, 1000, 128>}, {transform_indices = @transform_2, window_bounds = array<i64: 1000, 128>}, {pipeline_mode = #tpu.pipeline_mode<synchronous>, transform_indices = @transform_3, window_bounds = array<i64: 1, 128>}, {transform_indices = @transform_4, window_bounds = array<i64: 1000, 128>}]} {
    %get3A = arith.constant 0 : index
    %get3A_0 = arith.constant 0 : index
    %get3A_1 = arith.constant 0 : index
    %get3A_2 = vector.load %arg2[%get3A, %get3A_0, %get3A_1] : memref<2x1000x128xf32, #tpu.memory_space<vmem>>, vector<1x1000x128xf32>
    %get3A_3 = vector.shape_cast %get3A_2 : vector<1x1000x128xf32> to vector<1000x128xf32>
    %get3A_4 = arith.constant 1 : index
    %get3A_5 = arith.constant 0 : index
    %get3A_6 = arith.constant 0 : index
    %get3A_7 = vector.load %arg2[%get3A_4, %get3A_5, %get3A_6] : memref<2x1000x128xf32, #tpu.memory_space<vmem>>, vector<1x1000x128xf32>
    %get3A_8 = vector.shape_cast %get3A_7 : vector<1x1000x128xf32> to vector<1000x128xf32>
    %add3A = arith.addf %get3A_3, %get3A_8 : vector<1000x128xf32>
    %get3A_9 = arith.constant 0 : index
    %get3A_10 = arith.constant 0 : index
    %get3A_11 = vector.load %arg3[%get3A_9, %get3A_10] : memref<1000x128xf32, #tpu.memory_space<vmem>>, vector<1000x128xf32>
    %add3A_12 = arith.addf %add3A, %get3A_11 : vector<1000x128xf32>
    %get3A_13 = arith.constant 0 : index
    %get3A_14 = arith.constant 0 : index
    %get3A_15 = arith.constant 0 : index
    %get3A_16 = vector.load %arg1[%get3A_13, %get3A_14, %get3A_15] : memref<2x1000x128xf32, #tpu.memory_space<vmem>>, vector<1x1000x1xf32>
    %get3A_17 = vector.shape_cast %get3A_16 : vector<1x1000x1xf32> to vector<1000x1xf32>
    %get3A_18 = arith.constant 1 : index
    %get3A_19 = arith.constant 0 : index
    %get3A_20 = arith.constant 0 : index
    %get3A_21 = vector.load %arg1[%get3A_18, %get3A_19, %get3A_20] : memref<2x1000x128xf32, #tpu.memory_space<vmem>>, vector<1x1000x1xf32>
    %get3A_22 = vector.shape_cast %get3A_21 : vector<1x1000x1xf32> to vector<1000x1xf32>
    %add3A_23 = arith.addf %get3A_17, %get3A_22 : vector<1000x1xf32>
    %add3A_24 = arith.constant 1.000000e+00 : f32
    %add3A_25 = vector.broadcast %add3A_24 : f32 to vector<1000x1xf32>
    %add3A_26 = arith.addf %add3A_23, %add3A_25 : vector<1000x1xf32>
    %rsqrt3A = math.rsqrt %add3A_26 : vector<1000x1xf32>
    %mul3A = vector.broadcast %rsqrt3A : vector<1000x1xf32> to vector<1000x128xf32>
    %mul3A_27 = arith.mulf %add3A_12, %mul3A : vector<1000x128xf32>
    %get3A_28 = arith.constant 0 : index
    %get3A_29 = arith.constant 0 : index
    %get3A_30 = vector.load %arg4[%get3A_28, %get3A_29] : memref<1x128xf32, #tpu.memory_space<vmem>>, vector<1x128xf32>
    %add3A_31 = vector.broadcast %get3A_30 : vector<1x128xf32> to vector<1000x128xf32>
    %add3A_32 = arith.addf %mul3A_27, %add3A_31 : vector<1000x128xf32>
    %reduce_max3A = arith.constant dense<0xFF800000> : vector<1000xf32>
    %reduce_max3A_33 = vector.multi_reduction <maximumf>, %add3A_32, %reduce_max3A [1] : vector<1000x128xf32> to vector<1000xf32>
    %broadcast_in_dim3A = vector.shape_cast %reduce_max3A_33 : vector<1000xf32> to vector<1000x1xf32>
    %sub3A = vector.broadcast %broadcast_in_dim3A : vector<1000x1xf32> to vector<1000x128xf32>
    %sub3A_34 = arith.subf %add3A_32, %sub3A : vector<1000x128xf32>
    %exp3A = math.exp %sub3A_34 : vector<1000x128xf32>
    %sub3A_35 = vector.broadcast %broadcast_in_dim3A : vector<1000x1xf32> to vector<1000x128xf32>
    %sub3A_36 = arith.subf %add3A_32, %sub3A_35 : vector<1000x128xf32>
    %reduce_sum3A = arith.constant dense<0.000000e+00> : vector<1000xf32>
    %reduce_sum3A_37 = vector.multi_reduction <add>, %exp3A, %reduce_sum3A [1] : vector<1000x128xf32> to vector<1000xf32>
    %broadcast_in_dim3A_38 = vector.shape_cast %reduce_sum3A_37 : vector<1000xf32> to vector<1000x1xf32>
    %log3A = math.log %broadcast_in_dim3A_38 : vector<1000x1xf32>
    %sub3A_39 = vector.broadcast %log3A : vector<1000x1xf32> to vector<1000x128xf32>
    %sub3A_40 = arith.subf %sub3A_36, %sub3A_39 : vector<1000x128xf32>
    %swap3A = arith.constant 0 : index
    %swap3A_41 = arith.constant 0 : index
    %swap3A_42 = vector.load %arg5[%swap3A, %swap3A_41] : memref<1000x128xf32, #tpu.memory_space<vmem>>, vector<1000x128xf32>
    tpu.vector_store %arg5[%swap3A, %swap3A_41], %sub3A_40 {strides = array<i32>} : memref<1000x128xf32, #tpu.memory_space<vmem>>, vector<1000x128xf32>,
    return
  }
  func.func @transform_0(%arg0: i32) -> (i32, i32, i32) {
    %c0_i32 = arith.constant 0 : i32
    %c0_i32_0 = arith.constant 0 : i32
    %c0_i32_1 = arith.constant 0 : i32
    return %c0_i32, %arg0, %c0_i32_0 : i32, i32, i32
  }
  func.func @transform_1(%arg0: i32) -> (i32, i32, i32) {
    %c0_i32 = arith.constant 0 : i32
    %c0_i32_0 = arith.constant 0 : i32
    %c0_i32_1 = arith.constant 0 : i32
    return %c0_i32, %arg0, %c0_i32_0 : i32, i32, i32
  }
  func.func @transform_2(%arg0: i32) -> (i32, i32) {
    %c0_i32 = arith.constant 0 : i32
    %c0_i32_0 = arith.constant 0 : i32
    return %arg0, %c0_i32 : i32, i32
  }
  func.func @transform_3(%arg0: i32) -> (i32, i32) {
    %c0_i32 = arith.constant 0 : i32
    %c0_i32_0 = arith.constant 0 : i32
    %c0_i32_1 = arith.constant 0 : i32
    return %c0_i32, %c0_i32_0 : i32, i32
  }
  func.func @transform_4(%arg0: i32) -> (i32, i32) {
    %c0_i32 = arith.constant 0 : i32
    %c0_i32_0 = arith.constant 0 : i32
    return %arg0, %c0_i32 : i32, i32
  }
}

</mosaic_0001>

<sc_bundles>
// kernel: kernel.11.cloned.1.call-start
scs
__scs_entry_jumppad:
0x0: {  	(pc) =	sbr.rel $0x88, $3  }
0x1: {  	(tag) =	ssettag $0x0;
	lr =	simm.s32 $0x1  }
0x2: {  	[smem:$0x3F9B] =	sst lr;
	_ =	strace $0xD0000000  }
0x3: {  	_ = 	snop  }
0x4: {  	_ = 	snop  }
0x5: {  	_ = 	snop  }
0x6: {  	_ = 	snop  }
0x7: {  	_ = 	snop  }
__scs_overlays_trampoline_lowered:
0x8: {  	[smem:$0x3FAA] =	sst s0  }
0x9: {  	[smem:$0x3FAB] =	sst s1  }
0xa: {  	[smem:$0x3FAC] =	sst s2  }
0xb: {  	[smem:$0x3FAD] =	sst s3  }
0xc: {  	[smem:$0x3FAE] =	sst s4  }
0xd: {  	[smem:$0x3FAF] =	sst s5  }
0xe: {  	[smem:$0x3FB0] =	sst s6  }
0xf: {  	[smem:$0x3FB1] =	sst s7  }
0x10: {  	[smem:$0x3FB2] =	sst s8  }
0x11: {  	[smem:$0x3FB3] =	sst s9;
	s0 =	simm.s32 @!p0 $0x0  }
0x12: {  	s1 =	sld [smem:$0x3F99];
	s0 =	simm.s32 @p0 $0x1  }
0x13: {  	[smem:$0x3FB4] =	sst s0;
	s0 =	simm.s32 @!p1 $0x0  }
0x14: {  	s2 =	sld [smem:$0x3F98];
	s0 =	simm.s32 @p1 $0x1  }
0x15: {  	[smem:$0x3FB5] =	sst s0;
	s0 =	simm.s32 @!p2 $0x0  }
0x16: {  	s3 =	sld [smem:$0x3FDB];
	s0 =	simm.s32 @p2 $0x1  }
0x17: {  	s4 =	simm.s32 $0x1BF5;
	[smem:$0x3FB7] =	sst s0  }
0x18: {  	s0 =	sld [smem:$0x3F9A];
	_ =	swait.ge [sflag:s4], $0x0  }
0x19: {  	s7 =	sld [smem:$0x3F9B]  }
0x1a: {  	s8 =	sadd.s32 $0xFFFFE003, lr  }
0x1b: {  	s9 =	sadd.s32 $0xFFFFFEF7, lr;
	s5 =	simm.s32 $0xFFFFFFFF;
	p2 =	slt.u32 s8, $0xFFFFF086  }
0x1c: {  	p1 =	slt.u32 s9, $0xF7A;
	s5 =	simm.s32 @!p2 $0x0  }
0x1d: {  	s5 =	simm.s32 @p1 $0x1;
	p0 =	seq.s32 s7, s2  }
0x1e: {  	s7 =	smul.u32 @!p0 $0xF7A, s2;
	p2 =	seq.s32 @!p0 s5, $0x0  }
0x1f: {  	s9 =	smul.u32 $0xF7A, s1;
	s8 =	simm.s32 @!p0 $0x1BF5;
	p2 =	por !p2, p0  }
0x20: {  	[sflag:s8] =	ssyncset.s32 @!p0 $0xFFFFF086;
	s6 =	sadd.s32 @!p0 s3, s7;
	s7 =	simm.s32 @!p0 $0x108  }
0x21: {  	s3 =	sadd.s32 s3, s9;
	s6 =	sadd.s32 @!p0 $0x88, s6;
	s7 =	simm.s32 @p2 $0x1082  }
0x22: {  	[simem:s7], [sflag:s8] =	dma.local @!p0 [hbm:s6], $0xF7A  }
0x23: {  	s9 =	sor.u32 $0xD0000000, s2;
	s6 =	simm.s32 $0x108;
	_ =	swait.ge @!p0 [sflag:s8], $0x0  }
0x24: {  	s3 =	sadd.s32 $0x88, s3;
	s6 =	simm.s32 @!p1 $0x1082;
	[sflag:s4] =	ssyncset.s32 $0xFFFFF086  }
0x25: {  	[simem:s6], [sflag:s4] =	dma.local [hbm:s3], $0xF7A  }
0x26: {  	[smem:$0x3F9B] =	sst s1;
	(tag) =	ssettag s2;
	_ =	strace s9  }
0x27: {  	s1 =	sld [smem:$0x3FAB]  }
0x28: {  	s2 =	sld [smem:$0x3FAC]  }
0x29: {  	s4 =	sld [smem:$0x3FAE]  }
0x2a: {  	p0 =	seq.s32 s5, $0x0;
	s5 =	sld [smem:$0x3FAF]  }
0x2b: {  	s6 =	sld [smem:$0x3FB0]  }
0x2c: {  	s7 =	sld [smem:$0x3FB1]  }
0x2d: {  	s3 =	simm.s32 $0x108;
	s8 =	sld [smem:$0x3FB2]  }
0x2e: {  	s3 =	simm.s32 @!p0 $0x1082;
	s9 =	sld [smem:$0x3FB3]  }
0x2f: {  	lr =	sadd.s32 s0, s3;
	s0 =	sld [smem:$0x3FAA]  }
0x30: {  	s3 =	sld [smem:$0x3FAD]  }
0x31: {  	[smem:$0x3FB6] =	sst s10  }
0x32: {  	s10 =	sld [smem:$0x3FB4];
	_ =	sdelay $0x3  }
0x33: {  	p0 =	seq.s32 s10, $0x1;
	s10 =	sld [smem:$0x3FB6];
	_ =	sdelay $0x3  }
0x34: {  	[smem:$0x3FB6] =	sst s10  }
0x35: {  	s10 =	sld [smem:$0x3FB5];
	_ =	sdelay $0x3  }
0x36: {  	p1 =	seq.s32 s10, $0x1;
	s10 =	sld [smem:$0x3FB6];
	_ =	sdelay $0x3  }
0x37: {  	[smem:$0x3FB6] =	sst s10  }
0x38: {  	s10 =	sld [smem:$0x3FB7]  }
0x39: {  	_ = 	snop;
	(pc) =	sbr.ind lr, $3  }
0x3a: {  	_ = 	snop  }
0x3b: {  	_ = 	snop  }
0x3c: {  	p2 =	seq.s32 s10, $0x1;
	s10 =	sld [smem:$0x3FB6]  }
0x3d: {  	_ =	shalt  }
0x3e: {  	_ =	shalt  }
0x3f: {  	_ =	shalt  }
0x40: {  	_ =	shalt  }
0x41: {  	_ =	shalt  }
0x42: {  	_ =	shalt  }
0x43: {  	_ =	shalt  }
0x44: {  	_ =	shalt  }
0x45: {  	_ =	shalt  }
0x46: {  	_ =	shalt  }
0x47: {  	_ =	shalt  }
0x48: {  	_ =	shalt  }
0x49: {  	_ =	shalt  }
0x4a: {  	_ =	shalt  }
0x4b: {  	_ =	shalt  }
0x4c: {  	_ =	shalt  }
0x4d: {  	_ =	shalt  }
0x4e: {  	_ =	shalt  }
0x4f: {  	_ =	shalt  }
0x50: {  	_ =	shalt  }
0x51: {  	_ =	shalt  }
0x52: {  	_ =	shalt  }
0x53: {  	_ =	shalt  }
0x54: {  	_ =	shalt  }
0x55: {  	_ =	shalt  }
0x56: {  	_ =	shalt  }
0x57: {  	_ =	shalt  }
0x58: {  	_ =	shalt  }
0x59: {  	_ =	shalt  }
0x5a: {  	_ =	shalt  }
0x5b: {  	_ =	shalt  }
0x5c: {  	_ =	shalt  }
0x5d: {  	_ =	shalt  }
0x5e: {  	_ =	shalt  }
0x5f: {  	_ =	shalt  }
0x60: {  	_ =	shalt  }
0x61: {  	_ =	shalt  }
0x62: {  	_ =	shalt  }
0x63: {  	_ =	shalt  }
0x64: {  	_ =	shalt  }
0x65: {  	_ =	shalt  }
0x66: {  	_ =	shalt  }
0x67: {  	_ =	shalt  }
0x68: {  	_ =	shalt  }
0x69: {  	_ =	shalt  }
0x6a: {  	_ =	shalt  }
0x6b: {  	_ =	shalt  }
0x6c: {  	_ =	shalt  }
0x6d: {  	_ =	shalt  }
0x6e: {  	_ =	shalt  }
0x6f: {  	_ =	shalt  }
0x70: {  	_ =	shalt  }
0x71: {  	_ =	shalt  }
0x72: {  	_ =	shalt  }
0x73: {  	_ =	shalt  }
0x74: {  	_ =	shalt  }
0x75: {  	_ =	shalt  }
0x76: {  	_ =	shalt  }
0x77: {  	_ =	shalt  }
0x78: {  	_ =	shalt  }
0x79: {  	_ =	shalt  }
0x7a: {  	_ =	shalt  }
0x7b: {  	_ =	shalt  }
0x7c: {  	_ =	shalt  }
0x7d: {  	_ =	shalt  }
0x7e: {  	_ =	shalt  }
0x7f: {  	_ =	shalt  }
0x80: {  	_ =	shalt  }
0x81: {  	_ =	shalt  }
0x82: {  	_ =	shalt  }
0x83: {  	_ =	shalt  }
0x84: {  	_ =	shalt  }
0x85: {  	_ =	shalt  }
0x86: {  	_ =	shalt  }
0x87: {  	_ =	shalt  }
.Lfunc_end0:
.L_simem_size_0:
called_computation.1_lowered:
.L_overlay_start_0:
0x88: {  	s2 =	sld [smem:$0x3FD9]  }
0x89: {  	s3 =	sld [smem:$0x3FFE];
	_ =	sdelay $0x1  }
0x8a: {  	s1 =	srdreg.scid  }
0x8b: {  	s0 =	sand.u32 $0x1, s1  }
0x8c: {  	s17 =	sshll.u32 s0, $0xA;
	s2 =	sadd.s32 s3, s2  }
0x8d: {  	s2 =	sadd.s32 s2, s17  }
0x8e: {  	[smem:$0x3FC2] =	sst s2  }
0x8f: {  	_ = 	snop  }
0x90: {  	s2 =	sld [smem:$0x3FD0];
	(tm) =	ssettm $0x1  }
0x91: {  	s18 =	sld [smem:$0x3FFB];
	_ =	sdelay $0x3  }
0x92: {  	_ =	strace s18  }
0x93: {  	s3 =	sld [smem:$0x3FFC];
	_ =	sdelay $0x3  }
0x94: {  	_ =	strace s3  }
0x95: {  	s3 =	sld [smem:$0x3FFD];
	_ =	sdelay $0x3  }
0x96: {  	_ =	strace s3  }
0x97: {  	_ =	strace $0x8FFFFFFF  }
0x98: {  	s19 =	sld [smem:$0x3FDB];
	_ =	sdelay $0x1  }
0x99: {  	s4 =	simm.s32 $_scs_section_size  }
0x9a: {  	s5 =	simm.s32 $_size__tile_overlayer_lowered;
	s6 =	simm.s32 $_tile_overlayer_lowered  }
0x9b: {  	s22 =	simm.s32 $0x1BFF;
	s21 =	sshll.u32 s6, $0x1;
	s3 =	sadd.s32 s4, s19  }
0x9c: {  	s7 =	simm.s32 $0x0;
	s20 =	sshll.u32 s5, $0x1;
	s5 =	sadd.s32 s21, s3  }
0x9d: {  	[timem:s7], [sflag:s22] =	dma.local [hbm:s5], s20  }
0x9e: {  	_ =	swait.ge [sflag:s22], s20  }
0x9f: {  	s4 =	ssub.s32 $0x0, s20;
	[sflag:s22] =	ssyncset.done $0x0  }
0xa0: {  	[sflag:s22] =	ssyncadd.s32 s4;
	_ =	sdelay $0x1  }
0xa1: {  	s23 =	simm.s32 $0x1B8B  }
0xa2: {  	_ =	swait.ge [sflag:s23], $0x1  }
0xa3: {  	[sflag:s23] =	ssyncset.done $0x0  }
0xa4: {  	s25 =	simm.s32 $0x1B8E;
	s24 =	sld [smem:$0x3FFE];
	[sflag:s23] =	ssyncadd.s32 $0xFFFFFFFF  }
0xa5: {  	s26 =	simm.s32 $execute0_lowered;
	[smem:$0x3FD2] =	sst s25  }
0xa6: {  	s5 =	sshll.u32 s26, $0x1;
	_ =	strace $0x80000049;
	[dreg:$0x1] =	wrdreg $0xFFFFFFFF  }
0xa7: {  	s28 =	simm.s32 $_size_execute0_lowered;
	s3 =	sadd.s32 s3, s5;
	[dreg:$0x0] =	wrdreg $0x0  }
0xa8: {  	s5 =	sshll.u32 s28, $0x1;
	[dreg:$0x2] =	wrdreg s3  }
0xa9: {  	[dreg:$0x3] =	wrdreg s5  }
0xaa: {  	[dreg:$0x4] =	wrdreg $0xC0  }
0xab: {  	_ =	task [dreg:s7], $0x5FFFF  }
0xac: {  	[dreg:$0x1] =	wrdreg $0xFFFFFFFF  }
0xad: {  	[dreg:$0x0] =	wrdreg $0x60  }
0xae: {  	[dreg:$0x2] =	wrdreg s24  }
0xaf: {  	[dreg:$0x3] =	wrdreg s2  }
0xb0: {  	[dreg:$0x4] =	wrdreg $0xA0000  }
0xb1: {  	[dreg:$0x5] =	wrdreg $0x9  }
0xb2: {  	_ =	task.clear_ibuf [dreg:s7], $0x6FFFF;
	_ =	strace $0x90000049  }
0xb3: {  	s29 =	simm.s32 $0x9;
	_ =	strace $0x8000004B  }
0xb4: {  	_ =	swait.ge [sflag:s29], $0x1  }
0xb5: {  	[sflag:s29] =	ssyncadd.s32 $0xFFFFFFFF  }
0xb6: {  	_ =	strace $0x9000004B  }
0xb7: {  	_ =	sfence  }
0xb8: {  	s30 =	sld [smem:$0x0];
	_ =	sdelay $0x2  }
0xb9: {  	s31 =	sshll.u32 s1, $0xD;
	s1 =	sshrl.u32 s1, $0x2  }
0xba: {  	s3 =	sand.u32 $0x4000, s31;
	s1 =	sadd.s32 s1, s30  }
0xbb: {  	s0 =	sor.u32 s3, s0;
	s1 =	sshll.u32 s1, $0x11  }
0xbc: {  	s0 =	sor.u32 s1, s0  }
0xbd: {  	s0 =	sadd.s32 $0x8F2B, s0  }
0xbe: {  	[sflag:s0] =	ssyncadd.remote.s32 $0x1  }
0xbf: {  	_ =	sfence.sel $0xFFFF  }
0xc0: {  	[dreg:$0x0] =	wrdreg $0xFFFFFFFF;
	(pc) =	sbr.abs _section_cstart, $3  }
0xc1: {  	[dreg:$0x1] =	wrdreg $0xFFFFFFFF  }
0xc2: {  	_ =	task.clear_ibuf [dreg:s7], $0x2FFFF;
	_ =	strace $0x9FFFFFFF  }
0xc3: {  	(tm) =	ssettm $0x7FFFFFFF  }
tec
execute0_lowered:
.L_overlay_start_1:
0x0: {  	(tag) =	ssettag $0x1  }
0x1: {  	s8 =	rddreg [dreg:$0x0]  }
0x2: {  	s2 =	rddreg [dreg:$0x1]  }
0x3: {  	s3 =	rddreg [dreg:$0x2]  }
0x4: {  	s0 =	rddreg [dreg:$0x3]  }
0x5: {  	s4 =	simm.s32 $0x0;
	s1 =	stileid.u32;
	s5 =	srdreg.scid  }
0x6: {  	s16 =	simm.s32 $0x1000;
	s17 =	simm.s32 $0x1;
	s18 =	simm.s32 $0x80  }
0x7: {  	s19 =	simm.s32 $0x2000;
	s20 =	simm.s32 $0x6000;
	s21 =	simm.s32 $0x2  }
0x8: {  	s22 =	simm.s32 $0x0;
	[smem:$0x7FF] =	sst s4;
	s7 =	smul.u32 $0x13C00, s1  }
0x9: {  	s9 =	sand.u32 $0x1, s5;
	s5 =	sadd.s32 $0xCA00, s8;
	s12 =	smul.u32 $0x4F000, s1  }
0xa: {  	s6 =	sadd.s32 $0x2A00, s8;
	s30 =	sshll.u32 s1, $0x6;
	s10 =	smul.u32 $0x13C000, s9  }
0xb: {  	_ =	strace $0x8000004A;
	s28 =	sshll.u32 s9, $0x4;
	s9 =	ssub.s32 $0x2, s9  }
0xc: {  	s11 =	sshrl.u32 s7, $0x3;
	s7 =	sadd.s32 s7, s10;
	s10 =	sor.u32 s1, s28  }
0xd: {  	s14 =	sshrl.u32 s9, $0x1;
	s13 =	sshrl.u32 s7, $0x3;
	s7 =	smul.u32 $0x2800, s10  }
.Ltmp0:
0xe: {  	s29 =	sshrl.u32 s12, $0x2;
	s11 =	sadd.s32 s11, s8;
	(pc) =	sbr.rel .LBB2_1-.Ltmp0, $4  }
0xf: {  	s14 =	ssub.s32 s9, s14;
	s15 =	sadd.s32 s29, s3;
	s9 =	sor.u32 $0x1C05, s30  }
0x10: {  	s13 =	sadd.s32 s13, s8;
	s8 =	sadd.s32 $0x16A00, s11;
	s31 =	sshrl.u32 s7, $0x3  }
0x11: {  	s12 =	sadd.s32 $0x3E200, s13;
	s13 =	smax.u32 s14, $0x1;
	s14 =	sshrl.u32 s15, $0x3  }
0x12: {  	s15 =	simm.s32 $0x5;
	s10 =	sadd.s32 s5, s31;
	s11 =	sadd.s32 s6, s31  }
.LBB2_5:
0x13: {  	s22 =	sadd.s32 $0x1, s22  }
0x14: {  	p0 =	sne.s32 s22, s13  }
.Ltmp1:
0x15: {  	[bflag:$0x0] =	sbarrier.arrive $0xFFFF;
	(pc) =	sbr.rel @!p0 .LBB2_6-.Ltmp1, $4  }
0x16: {  	[hbm:s12], [sflag:s9] =	dma.local [spmem:s14], $0x2780  }
0x17: {  	_ =	swait.ge [sflag:s15], $0x2780  }
0x18: {  	[sflag:s15] =	ssyncset.done $0x0  }
0x19: {  	[sflag:s15] =	ssyncadd.s32 $0xFFFFD880  }
.LBB2_1:
0x1a: {  	[spmem:s14], [sflag:s9] =	dma.local [hbm:s8], $0x2780  }
0x1b: {  	_ =	swait.ge [sflag:s15], $0x2780  }
0x1c: {  	[sflag:s15] =	ssyncset.done $0x0  }
0x1d: {  	[sflag:s15] =	ssyncadd.s32 $0xFFFFD880  }
0x1e: {  	[tilespmem:s4], [sflag:$0x5] =	stream.linear.gather [hbm4b:s10+s4], $0x800, $0x38;
	[tilespmem:$0x1DC00] =	vst v63  }
0x1f: {  	_ =	swait.ge [sflag:s15], $0x800  }
0x20: {  	[sflag:s15] =	ssyncset.done $0x0  }
0x21: {  	[sflag:s15] =	ssyncadd.s32 $0xFFFFF800  }
0x22: {  	[tilespmem:s16], [sflag:$0x5] =	stream.linear.gather [hbm4b:s11+s4], $0x800, $0x38;
	[tilespmem:$0x1DC00] =	vst v63  }
.Ltmp2:
0x23: {  	_ =	swait.ge [sflag:s15], $0x800;
	(pc) =	sbr.rel .LBB2_2-.Ltmp2, $4  }
0x24: {  	[sflag:s15] =	ssyncset.done $0x0  }
0x25: {  	[sflag:s15] =	ssyncadd.s32 $0xFFFFF800  }
0x26: {  	[bflag:$0x0] =	sbarrier.arrive $0xFFFF  }
0x27: {  	s24 =	simm.s32 $0x0  }
.LBB2_4:
0x28: {  	s24 =	sshll.u32 s24, $0xB  }
0x29: {  	s24 =	sand.u32 $0x800, s24  }
0x2a: {  	[tilespmem:s19], [sflag:$0x1] =	stream.indirect.gather [hbm4b:s2+s18], $0x80, s24, s18, $0xb8;
	[tilespmem:$0x1DC00] =	vst v63  }
0x2b: {  	s25 =	sor.u32 $0x80, s24  }
0x2c: {  	[tilespmem:s20], [sflag:$0x2] =	stream.indirect.gather [hbm4b:s2+s18], $0x80, s25, s18, $0xb8;
	[tilespmem:$0x1DC00] =	vst v63  }
0x2d: {  	_ =	swait.ge [sflag:s17], $0x4000  }
0x2e: {  	[sflag:s17] =	ssyncset.done $0x0  }
0x2f: {  	s28 =	sor.u32 $0x1000, s24;
	[sflag:s17] =	ssyncadd.s32 $0xFFFFC000  }
0x30: {  	[spmem:s3] =	stream.indirect.scatter.add.f32 [tilespmem:s19], [sflag:$0x5], $0x80, s28, s18, $0xb8;
	[tilespmem:$0x1DC00] =	vst v63  }
0x31: {  	_ =	swait.ge [sflag:s15], $0x4000  }
0x32: {  	[sflag:s15] =	ssyncset.done $0x0  }
0x33: {  	s29 =	sor.u32 $0x100, s24;
	[sflag:s15] =	ssyncadd.s32 $0xFFFFC000  }
0x34: {  	[tilespmem:s19], [sflag:$0x1] =	stream.indirect.gather [hbm4b:s2+s18], $0x80, s29, s18, $0xb8;
	[tilespmem:$0x1DC00] =	vst v63  }
0x35: {  	_ =	swait.ge [sflag:s21], $0x4000  }
0x36: {  	[sflag:s21] =	ssyncset.done $0x0  }
0x37: {  	s30 =	sor.u32 $0x1080, s24;
	[sflag:s21] =	ssyncadd.s32 $0xFFFFC000  }
0x38: {  	[spmem:s3] =	stream.indirect.scatter.add.f32 [tilespmem:s20], [sflag:$0x5], $0x80, s30, s18, $0xb8;
	[tilespmem:$0x1DC00] =	vst v63  }
0x39: {  	_ =	swait.ge [sflag:s15], $0x4000  }
0x3a: {  	[sflag:s15] =	ssyncset.done $0x0  }
0x3b: {  	s31 =	sor.u32 $0x180, s24;
	[sflag:s15] =	ssyncadd.s32 $0xFFFFC000  }
0x3c: {  	[tilespmem:s20], [sflag:$0x2] =	stream.indirect.gather [hbm4b:s2+s18], $0x80, s31, s18, $0xb8;
	[tilespmem:$0x1DC00] =	vst v63  }
0x3d: {  	_ =	swait.ge [sflag:s17], $0x4000  }
0x3e: {  	[sflag:s17] =	ssyncset.done $0x0  }
0x3f: {  	s26 =	sor.u32 $0x1100, s24;
	[sflag:s17] =	ssyncadd.s32 $0xFFFFC000  }
0x40: {  	[spmem:s3] =	stream.indirect.scatter.add.f32 [tilespmem:s19], [sflag:$0x5], $0x80, s26, s18, $0xb8;
	[tilespmem:$0x1DC00] =	vst v63  }
0x41: {  	_ =	swait.ge [sflag:s15], $0x4000  }
0x42: {  	[sflag:s15] =	ssyncset.done $0x0  }
0x43: {  	s28 =	sor.u32 $0x200, s24;
	[sflag:s15] =	ssyncadd.s32 $0xFFFFC000  }
0x44: {  	[tilespmem:s19], [sflag:$0x1] =	stream.indirect.gather [hbm4b:s2+s18], $0x80, s28, s18, $0xb8;
	[tilespmem:$0x1DC00] =	vst v63  }
0x45: {  	_ =	swait.ge [sflag:s21], $0x4000  }
0x46: {  	[sflag:s21] =	ssyncset.done $0x0  }
0x47: {  	s29 =	sor.u32 $0x1180, s24;
	[sflag:s21] =	ssyncadd.s32 $0xFFFFC000  }
0x48: {  	[spmem:s3] =	stream.indirect.scatter.add.f32 [tilespmem:s20], [sflag:$0x5], $0x80, s29, s18, $0xb8;
	[tilespmem:$0x1DC00] =	vst v63  }
0x49: {  	_ =	swait.ge [sflag:s15], $0x4000  }
0x4a: {  	[sflag:s15] =	ssyncset.done $0x0  }
0x4b: {  	s30 =	sor.u32 $0x280, s24;
	[sflag:s15] =	ssyncadd.s32 $0xFFFFC000  }
0x4c: {  	[tilespmem:s20], [sflag:$0x2] =	stream.indirect.gather [hbm4b:s2+s18], $0x80, s30, s18, $0xb8;
	[tilespmem:$0x1DC00] =	vst v63  }
0x4d: {  	_ =	swait.ge [sflag:s17], $0x4000  }
0x4e: {  	[sflag:s17] =	ssyncset.done $0x0  }
0x4f: {  	s31 =	sor.u32 $0x1200, s24;
	[sflag:s17] =	ssyncadd.s32 $0xFFFFC000  }
0x50: {  	[spmem:s3] =	stream.indirect.scatter.add.f32 [tilespmem:s19], [sflag:$0x5], $0x80, s31, s18, $0xb8;
	[tilespmem:$0x1DC00] =	vst v63  }
0x51: {  	_ =	swait.ge [sflag:s15], $0x4000  }
0x52: {  	[sflag:s15] =	ssyncset.done $0x0  }
0x53: {  	s26 =	sor.u32 $0x300, s24;
	[sflag:s15] =	ssyncadd.s32 $0xFFFFC000  }
0x54: {  	[tilespmem:s19], [sflag:$0x1] =	stream.indirect.gather [hbm4b:s2+s18], $0x80, s26, s18, $0xb8;
	[tilespmem:$0x1DC00] =	vst v63  }
0x55: {  	_ =	swait.ge [sflag:s21], $0x4000  }
0x56: {  	[sflag:s21] =	ssyncset.done $0x0  }
0x57: {  	s28 =	sor.u32 $0x1280, s24;
	[sflag:s21] =	ssyncadd.s32 $0xFFFFC000  }
0x58: {  	[spmem:s3] =	stream.indirect.scatter.add.f32 [tilespmem:s20], [sflag:$0x5], $0x80, s28, s18, $0xb8;
	[tilespmem:$0x1DC00] =	vst v63  }
0x59: {  	_ =	swait.ge [sflag:s15], $0x4000  }
0x5a: {  	[sflag:s15] =	ssyncset.done $0x0  }
0x5b: {  	s29 =	sor.u32 $0x380, s24;
	[sflag:s15] =	ssyncadd.s32 $0xFFFFC000  }
0x5c: {  	[tilespmem:s20], [sflag:$0x2] =	stream.indirect.gather [hbm4b:s2+s18], $0x80, s29, s18, $0xb8;
	[tilespmem:$0x1DC00] =	vst v63  }
0x5d: {  	_ =	swait.ge [sflag:s17], $0x4000  }
0x5e: {  	[sflag:s17] =	ssyncset.done $0x0  }
0x5f: {  	s30 =	sor.u32 $0x1300, s24;
	[sflag:s17] =	ssyncadd.s32 $0xFFFFC000  }
0x60: {  	[spmem:s3] =	stream.indirect.scatter.add.f32 [tilespmem:s19], [sflag:$0x5], $0x80, s30, s18, $0xb8;
	[tilespmem:$0x1DC00] =	vst v63  }
0x61: {  	_ =	swait.ge [sflag:s15], $0x4000  }
0x62: {  	[sflag:s15] =	ssyncset.done $0x0  }
0x63: {  	s31 =	sor.u32 $0x400, s24;
	[sflag:s15] =	ssyncadd.s32 $0xFFFFC000  }
0x64: {  	[tilespmem:s19], [sflag:$0x1] =	stream.indirect.gather [hbm4b:s2+s18], $0x80, s31, s18, $0xb8;
	[tilespmem:$0x1DC00] =	vst v63  }
0x65: {  	_ =	swait.ge [sflag:s21], $0x4000  }
0x66: {  	[sflag:s21] =	ssyncset.done $0x0  }
0x67: {  	s26 =	sor.u32 $0x1380, s24;
	[sflag:s21] =	ssyncadd.s32 $0xFFFFC000  }
0x68: {  	[spmem:s3] =	stream.indirect.scatter.add.f32 [tilespmem:s20], [sflag:$0x5], $0x80, s26, s18, $0xb8;
	[tilespmem:$0x1DC00] =	vst v63  }
0x69: {  	_ =	swait.ge [sflag:s15], $0x4000  }
0x6a: {  	[sflag:s15] =	ssyncset.done $0x0  }
0x6b: {  	s28 =	sor.u32 $0x480, s24;
	[sflag:s15] =	ssyncadd.s32 $0xFFFFC000  }
0x6c: {  	[tilespmem:s20], [sflag:$0x2] =	stream.indirect.gather [hbm4b:s2+s18], $0x80, s28, s18, $0xb8;
	[tilespmem:$0x1DC00] =	vst v63  }
0x6d: {  	_ =	swait.ge [sflag:s17], $0x4000  }
0x6e: {  	[sflag:s17] =	ssyncset.done $0x0  }
0x6f: {  	s29 =	sor.u32 $0x1400, s24;
	[sflag:s17] =	ssyncadd.s32 $0xFFFFC000  }
0x70: {  	[spmem:s3] =	stream.indirect.scatter.add.f32 [tilespmem:s19], [sflag:$0x5], $0x80, s29, s18, $0xb8;
	[tilespmem:$0x1DC00] =	vst v63  }
0x71: {  	_ =	swait.ge [sflag:s15], $0x4000  }
0x72: {  	[sflag:s15] =	ssyncset.done $0x0  }
0x73: {  	s30 =	sor.u32 $0x500, s24;
	[sflag:s15] =	ssyncadd.s32 $0xFFFFC000  }
0x74: {  	[tilespmem:s19], [sflag:$0x1] =	stream.indirect.gather [hbm4b:s2+s18], $0x80, s30, s18, $0xb8;
	[tilespmem:$0x1DC00] =	vst v63  }
0x75: {  	_ =	swait.ge [sflag:s21], $0x4000  }
0x76: {  	[sflag:s21] =	ssyncset.done $0x0  }
0x77: {  	s31 =	sor.u32 $0x1480, s24;
	[sflag:s21] =	ssyncadd.s32 $0xFFFFC000  }
0x78: {  	[spmem:s3] =	stream.indirect.scatter.add.f32 [tilespmem:s20], [sflag:$0x5], $0x80, s31, s18, $0xb8;
	[tilespmem:$0x1DC00] =	vst v63  }
0x79: {  	_ =	swait.ge [sflag:s15], $0x4000  }
0x7a: {  	[sflag:s15] =	ssyncset.done $0x0  }
0x7b: {  	s26 =	sor.u32 $0x580, s24;
	[sflag:s15] =	ssyncadd.s32 $0xFFFFC000  }
0x7c: {  	[tilespmem:s20], [sflag:$0x2] =	stream.indirect.gather [hbm4b:s2+s18], $0x80, s26, s18, $0xb8;
	[tilespmem:$0x1DC00] =	vst v63  }
0x7d: {  	_ =	swait.ge [sflag:s17], $0x4000  }
0x7e: {  	[sflag:s17] =	ssyncset.done $0x0  }
0x7f: {  	s28 =	sor.u32 $0x1500, s24;
	[sflag:s17] =	ssyncadd.s32 $0xFFFFC000  }
0x80: {  	[spmem:s3] =	stream.indirect.scatter.add.f32 [tilespmem:s19], [sflag:$0x5], $0x80, s28, s18, $0xb8;
	[tilespmem:$0x1DC00] =	vst v63  }
0x81: {  	_ =	swait.ge [sflag:s15], $0x4000  }
0x82: {  	[sflag:s15] =	ssyncset.done $0x0  }
0x83: {  	s29 =	sor.u32 $0x600, s24;
	[sflag:s15] =	ssyncadd.s32 $0xFFFFC000  }
0x84: {  	[tilespmem:s19], [sflag:$0x1] =	stream.indirect.gather [hbm4b:s2+s18], $0x80, s29, s18, $0xb8;
	[tilespmem:$0x1DC00] =	vst v63  }
0x85: {  	_ =	swait.ge [sflag:s21], $0x4000  }
0x86: {  	[sflag:s21] =	ssyncset.done $0x0  }
0x87: {  	s30 =	sor.u32 $0x1580, s24;
	[sflag:s21] =	ssyncadd.s32 $0xFFFFC000  }
0x88: {  	[spmem:s3] =	stream.indirect.scatter.add.f32 [tilespmem:s20], [sflag:$0x5], $0x80, s30, s18, $0xb8;
	[tilespmem:$0x1DC00] =	vst v63  }
0x89: {  	_ =	swait.ge [sflag:s15], $0x4000  }
0x8a: {  	[sflag:s15] =	ssyncset.done $0x0  }
0x8b: {  	s31 =	sor.u32 $0x680, s24;
	[sflag:s15] =	ssyncadd.s32 $0xFFFFC000  }
0x8c: {  	[tilespmem:s20], [sflag:$0x2] =	stream.indirect.gather [hbm4b:s2+s18], $0x80, s31, s18, $0xb8;
	[tilespmem:$0x1DC00] =	vst v63  }
0x8d: {  	_ =	swait.ge [sflag:s17], $0x4000  }
0x8e: {  	[sflag:s17] =	ssyncset.done $0x0  }
0x8f: {  	s26 =	sor.u32 $0x1600, s24;
	[sflag:s17] =	ssyncadd.s32 $0xFFFFC000  }
0x90: {  	[spmem:s3] =	stream.indirect.scatter.add.f32 [tilespmem:s19], [sflag:$0x5], $0x80, s26, s18, $0xb8;
	[tilespmem:$0x1DC00] =	vst v63  }
0x91: {  	_ =	swait.ge [sflag:s15], $0x4000  }
0x92: {  	[sflag:s15] =	ssyncset.done $0x0  }
0x93: {  	s28 =	sor.u32 $0x700, s24;
	[sflag:s15] =	ssyncadd.s32 $0xFFFFC000  }
0x94: {  	[tilespmem:s19], [sflag:$0x1] =	stream.indirect.gather [hbm4b:s2+s18], $0x80, s28, s18, $0xb8;
	[tilespmem:$0x1DC00] =	vst v63  }
0x95: {  	_ =	swait.ge [sflag:s21], $0x4000  }
0x96: {  	[sflag:s21] =	ssyncset.done $0x0  }
0x97: {  	s29 =	sor.u32 $0x1680, s24;
	[sflag:s21] =	ssyncadd.s32 $0xFFFFC000  }
0x98: {  	[spmem:s3] =	stream.indirect.scatter.add.f32 [tilespmem:s20], [sflag:$0x5], $0x80, s29, s18, $0xb8;
	[tilespmem:$0x1DC00] =	vst v63  }
0x99: {  	_ =	swait.ge [sflag:s15], $0x4000  }
0x9a: {  	[sflag:s15] =	ssyncset.done $0x0  }
0x9b: {  	s30 =	sor.u32 $0x780, s24;
	[sflag:s15] =	ssyncadd.s32 $0xFFFFC000  }
0x9c: {  	[tilespmem:s20], [sflag:$0x2] =	stream.indirect.gather [hbm4b:s2+s18], $0x80, s30, s18, $0xb8;
	[tilespmem:$0x1DC00] =	vst v63  }
0x9d: {  	_ =	swait.ge [sflag:s17], $0x4000  }
0x9e: {  	[sflag:s17] =	ssyncset.done $0x0  }
0x9f: {  	s31 =	sor.u32 $0x1700, s24;
	[sflag:s17] =	ssyncadd.s32 $0xFFFFC000  }
0xa0: {  	[spmem:s3] =	stream.indirect.scatter.add.f32 [tilespmem:s19], [sflag:$0x5], $0x80, s31, s18, $0xb8;
	[tilespmem:$0x1DC00] =	vst v63  }
0xa1: {  	_ =	swait.ge [sflag:s15], $0x4000  }
0xa2: {  	[sflag:s15] =	ssyncset.done $0x0  }
0xa3: {  	[sflag:s15] =	ssyncadd.s32 $0xFFFFC000  }
0xa4: {  	_ =	swait.ge [sflag:s21], $0x4000  }
0xa5: {  	p0 =	slt.u32 s23, $0x5;
	[sflag:s21] =	ssyncset.done $0x0  }
.Ltmp3:
0xa6: {  	s24 =	sor.u32 $0x1780, s24;
	[sflag:s21] =	ssyncadd.s32 $0xFFFFC000;
	(pc) =	sbr.rel @!p0 .LBB2_5-.Ltmp3, $4  }
0xa7: {  	[spmem:s3] =	stream.indirect.scatter.add.f32 [tilespmem:s20], [sflag:$0x5], $0x80, s24, s18, $0xb8;
	[tilespmem:$0x1DC00] =	vst v63  }
0xa8: {  	_ =	swait.ge [sflag:s15], $0x4000  }
0xa9: {  	[sflag:s15] =	ssyncset.done $0x0  }
0xaa: {  	s24 =	smov.u32 s23;
	[sflag:s15] =	ssyncadd.s32 $0xFFFFC000  }
.LBB2_2:
0xab: {  	p0 =	seq.s32 s24, $0x0  }
0xac: {  	s23 =	simm.s32 @!p0 $0x3;
	p1 =	seq.s32 @!p0 s24, $0x4  }
0xad: {  	_ =	swait.ge @!p0 [sflag:s23], $0x800;
	p1 =	por p0, !p1  }
.Ltmp4:
0xae: {  	[sflag:s23] =	ssyncset.done @!p0 $0x0;
	(pc) =	sbr.rel @!p1 .LBB2_4-.Ltmp4, $4  }
0xaf: {  	[sflag:s23] =	ssyncadd.s32 @!p0 $0xFFFFF800;
	s23 =	simm.s32 @!p0 $0x4  }
0xb0: {  	_ =	swait.ge @!p0 [sflag:s23], $0x800  }
0xb1: {  	[sflag:s23] =	ssyncset.done @!p0 $0x0  }
0xb2: {  	[sflag:s23] =	ssyncadd.s32 @!p0 $0xFFFFF800;
	s23 =	simm.s32 @!p0 $0x5  }
0xb3: {  	s23 =	sadd.s32 @!p0 $0x1, s24  }
0xb4: {  	s23 =	simm.s32 @p0 $0x1  }
0xb5: {  	s25 =	sshll.u32 s23, $0xB  }
0xb6: {  	s26 =	sadd.s32 s7, s25  }
.Ltmp5:
0xb7: {  	s26 =	sshrl.u32 s26, $0x3;
	(pc) =	sbr.rel .LBB2_4-.Ltmp5, $4  }
0xb8: {  	s25 =	sand.u32 $0x800, s25;
	s28 =	sadd.s32 s5, s26  }
0xb9: {  	[tilespmem:s25], [sflag:$0x3] =	stream.linear.gather [hbm4b:s28+s4], $0x800, $0x38;
	[tilespmem:$0x1DC00] =	vst v63  }
0xba: {  	s26 =	sadd.s32 s6, s26;
	s25 =	sor.u32 $0x1000, s25  }
0xbb: {  	[tilespmem:s25], [sflag:$0x4] =	stream.linear.gather [hbm4b:s26+s4], $0x800, $0x38;
	[tilespmem:$0x1DC00] =	vst v63  }
.LBB2_6:
0xbc: {  	_ =	sfence.sel $0x180000  }
0xbd: {  	[bflag:$0x0] =	sbarrier.arrive $0xFFFF  }
0xbe: {  	p0 =	sne.s32 s1, $0x0;
	_ =	strace $0x9000004A  }
0xbf: {  	s0 =	sadd.s32 @!p0 $0x100000, s0;
	[bflag:$0x2] =	sbarrier.arrive $0xFFFF  }
0xc0: {  	[sflag:s0] =	ssyncadd.tile.s32 @!p0 $0x1;
	_ =	shalt  }
.Lfunc_end2:
_tile_overlayer_lowered:
.L_overlay_start_2:
0xc1: {  	(tag) =	ssettag $0x2  }
0xc2: {  	s0 =	rddreg [dreg:$0x0];
	s2 =	stileid.u32  }
0xc3: {  	s1 =	rddreg [dreg:$0x1];
	p0 =	sne.s32 s2, $0x0  }
0xc4: {  	s3 =	rddreg [dreg:$0x2];
	[bflag:$0x3] =	sbarrier.arrive $0xFFFF;
	s2 =	simm.s32 @!p0 $0x1C05  }
0xc5: {  	[timem:s3], [sflag:s2] =	dma.local @!p0 [hbm:s0], s1  }
0xc6: {  	s0 =	simm.s32 @!p0 $0x5  }
0xc7: {  	_ =	swait.ge @!p0 [sflag:s0], s1  }
0xc8: {  	s1 =	ssub.s32 @!p0 $0x0, s1;
	[sflag:s0] =	ssyncset.done @!p0 $0x0  }
0xc9: {  	[sflag:s0] =	ssyncadd.s32 @!p0 s1  }
0xca: {  	[bflag:$0x3] =	sbarrier.arrive $0xFFFF  }
0xcb: {  	_ =	shalt  }

// kernel: kernel.14.cloned.1.call-start
scs
__scs_entry_jumppad:
0x0: {  	(pc) =	sbr.rel $0x88, $3  }
0x1: {  	(tag) =	ssettag $0x0;
	lr =	simm.s32 $0x1  }
0x2: {  	[smem:$0x3F9B] =	sst lr;
	_ =	strace $0xD0000000  }
0x3: {  	_ = 	snop  }
0x4: {  	_ = 	snop  }
0x5: {  	_ = 	snop  }
0x6: {  	_ = 	snop  }
0x7: {  	_ = 	snop  }
__scs_overlays_trampoline_lowered:
0x8: {  	[smem:$0x3FAA] =	sst s0  }
0x9: {  	[smem:$0x3FAB] =	sst s1  }
0xa: {  	[smem:$0x3FAC] =	sst s2  }
0xb: {  	[smem:$0x3FAD] =	sst s3  }
0xc: {  	[smem:$0x3FAE] =	sst s4  }
0xd: {  	[smem:$0x3FAF] =	sst s5  }
0xe: {  	[smem:$0x3FB0] =	sst s6  }
0xf: {  	[smem:$0x3FB1] =	sst s7  }
0x10: {  	[smem:$0x3FB2] =	sst s8  }
0x11: {  	[smem:$0x3FB3] =	sst s9;
	s0 =	simm.s32 @!p0 $0x0  }
0x12: {  	s1 =	sld [smem:$0x3F99];
	s0 =	simm.s32 @p0 $0x1  }
0x13: {  	[smem:$0x3FB4] =	sst s0;
	s0 =	simm.s32 @!p1 $0x0  }
0x14: {  	s2 =	sld [smem:$0x3F98];
	s0 =	simm.s32 @p1 $0x1  }
0x15: {  	[smem:$0x3FB5] =	sst s0;
	s0 =	simm.s32 @!p2 $0x0  }
0x16: {  	s3 =	sld [smem:$0x3FDB];
	s0 =	simm.s32 @p2 $0x1  }
0x17: {  	s4 =	simm.s32 $0x1BF5;
	[smem:$0x3FB7] =	sst s0  }
0x18: {  	s0 =	sld [smem:$0x3F9A];
	_ =	swait.ge [sflag:s4], $0x0  }
0x19: {  	s7 =	sld [smem:$0x3F9B]  }
0x1a: {  	s8 =	sadd.s32 $0xFFFFE003, lr  }
0x1b: {  	s9 =	sadd.s32 $0xFFFFFEF7, lr;
	s5 =	simm.s32 $0xFFFFFFFF;
	p2 =	slt.u32 s8, $0xFFFFF086  }
0x1c: {  	p1 =	slt.u32 s9, $0xF7A;
	s5 =	simm.s32 @!p2 $0x0  }
0x1d: {  	s5 =	simm.s32 @p1 $0x1;
	p0 =	seq.s32 s7, s2  }
0x1e: {  	s7 =	smul.u32 @!p0 $0xF7A, s2;
	p2 =	seq.s32 @!p0 s5, $0x0  }
0x1f: {  	s9 =	smul.u32 $0xF7A, s1;
	s8 =	simm.s32 @!p0 $0x1BF5;
	p2 =	por !p2, p0  }
0x20: {  	[sflag:s8] =	ssyncset.s32 @!p0 $0xFFFFF086;
	s6 =	sadd.s32 @!p0 s3, s7;
	s7 =	simm.s32 @!p0 $0x108  }
0x21: {  	s3 =	sadd.s32 s3, s9;
	s6 =	sadd.s32 @!p0 $0x88, s6;
	s7 =	simm.s32 @p2 $0x1082  }
0x22: {  	[simem:s7], [sflag:s8] =	dma.local @!p0 [hbm:s6], $0xF7A  }
0x23: {  	s9 =	sor.u32 $0xD0000000, s2;
	s6 =	simm.s32 $0x108;
	_ =	swait.ge @!p0 [sflag:s8], $0x0  }
0x24: {  	s3 =	sadd.s32 $0x88, s3;
	s6 =	simm.s32 @!p1 $0x1082;
	[sflag:s4] =	ssyncset.s32 $0xFFFFF086  }
0x25: {  	[simem:s6], [sflag:s4] =	dma.local [hbm:s3], $0xF7A  }
0x26: {  	[smem:$0x3F9B] =	sst s1;
	(tag) =	ssettag s2;
	_ =	strace s9  }
0x27: {  	s1 =	sld [smem:$0x3FAB]  }
0x28: {  	s2 =	sld [smem:$0x3FAC]  }
0x29: {  	s4 =	sld [smem:$0x3FAE]  }
0x2a: {  	p0 =	seq.s32 s5, $0x0;
	s5 =	sld [smem:$0x3FAF]  }
0x2b: {  	s6 =	sld [smem:$0x3FB0]  }
0x2c: {  	s7 =	sld [smem:$0x3FB1]  }
0x2d: {  	s3 =	simm.s32 $0x108;
	s8 =	sld [smem:$0x3FB2]  }
0x2e: {  	s3 =	simm.s32 @!p0 $0x1082;
	s9 =	sld [smem:$0x3FB3]  }
0x2f: {  	lr =	sadd.s32 s0, s3;
	s0 =	sld [smem:$0x3FAA]  }
0x30: {  	s3 =	sld [smem:$0x3FAD]  }
0x31: {  	[smem:$0x3FB6] =	sst s10  }
0x32: {  	s10 =	sld [smem:$0x3FB4];
	_ =	sdelay $0x3  }
0x33: {  	p0 =	seq.s32 s10, $0x1;
	s10 =	sld [smem:$0x3FB6];
	_ =	sdelay $0x3  }
0x34: {  	[smem:$0x3FB6] =	sst s10  }
0x35: {  	s10 =	sld [smem:$0x3FB5];
	_ =	sdelay $0x3  }
0x36: {  	p1 =	seq.s32 s10, $0x1;
	s10 =	sld [smem:$0x3FB6];
	_ =	sdelay $0x3  }
0x37: {  	[smem:$0x3FB6] =	sst s10  }
0x38: {  	s10 =	sld [smem:$0x3FB7]  }
0x39: {  	_ = 	snop;
	(pc) =	sbr.ind lr, $3  }
0x3a: {  	_ = 	snop  }
0x3b: {  	_ = 	snop  }
0x3c: {  	p2 =	seq.s32 s10, $0x1;
	s10 =	sld [smem:$0x3FB6]  }
0x3d: {  	_ =	shalt  }
0x3e: {  	_ =	shalt  }
0x3f: {  	_ =	shalt  }
0x40: {  	_ =	shalt  }
0x41: {  	_ =	shalt  }
0x42: {  	_ =	shalt  }
0x43: {  	_ =	shalt  }
0x44: {  	_ =	shalt  }
0x45: {  	_ =	shalt  }
0x46: {  	_ =	shalt  }
0x47: {  	_ =	shalt  }
0x48: {  	_ =	shalt  }
0x49: {  	_ =	shalt  }
0x4a: {  	_ =	shalt  }
0x4b: {  	_ =	shalt  }
0x4c: {  	_ =	shalt  }
0x4d: {  	_ =	shalt  }
0x4e: {  	_ =	shalt  }
0x4f: {  	_ =	shalt  }
0x50: {  	_ =	shalt  }
0x51: {  	_ =	shalt  }
0x52: {  	_ =	shalt  }
0x53: {  	_ =	shalt  }
0x54: {  	_ =	shalt  }
0x55: {  	_ =	shalt  }
0x56: {  	_ =	shalt  }
0x57: {  	_ =	shalt  }
0x58: {  	_ =	shalt  }
0x59: {  	_ =	shalt  }
0x5a: {  	_ =	shalt  }
0x5b: {  	_ =	shalt  }
0x5c: {  	_ =	shalt  }
0x5d: {  	_ =	shalt  }
0x5e: {  	_ =	shalt  }
0x5f: {  	_ =	shalt  }
0x60: {  	_ =	shalt  }
0x61: {  	_ =	shalt  }
0x62: {  	_ =	shalt  }
0x63: {  	_ =	shalt  }
0x64: {  	_ =	shalt  }
0x65: {  	_ =	shalt  }
0x66: {  	_ =	shalt  }
0x67: {  	_ =	shalt  }
0x68: {  	_ =	shalt  }
0x69: {  	_ =	shalt  }
0x6a: {  	_ =	shalt  }
0x6b: {  	_ =	shalt  }
0x6c: {  	_ =	shalt  }
0x6d: {  	_ =	shalt  }
0x6e: {  	_ =	shalt  }
0x6f: {  	_ =	shalt  }
0x70: {  	_ =	shalt  }
0x71: {  	_ =	shalt  }
0x72: {  	_ =	shalt  }
0x73: {  	_ =	shalt  }
0x74: {  	_ =	shalt  }
0x75: {  	_ =	shalt  }
0x76: {  	_ =	shalt  }
0x77: {  	_ =	shalt  }
0x78: {  	_ =	shalt  }
0x79: {  	_ =	shalt  }
0x7a: {  	_ =	shalt  }
0x7b: {  	_ =	shalt  }
0x7c: {  	_ =	shalt  }
0x7d: {  	_ =	shalt  }
0x7e: {  	_ =	shalt  }
0x7f: {  	_ =	shalt  }
0x80: {  	_ =	shalt  }
0x81: {  	_ =	shalt  }
0x82: {  	_ =	shalt  }
0x83: {  	_ =	shalt  }
0x84: {  	_ =	shalt  }
0x85: {  	_ =	shalt  }
0x86: {  	_ =	shalt  }
0x87: {  	_ =	shalt  }
.Lfunc_end0:
.L_simem_size_0:
called_computation.2_lowered:
.L_overlay_start_0:
0x88: {  	s2 =	sld [smem:$0x3FD9]  }
0x89: {  	s3 =	sld [smem:$0x3FFE];
	_ =	sdelay $0x1  }
0x8a: {  	s1 =	srdreg.scid  }
0x8b: {  	s0 =	sand.u32 $0x1, s1  }
0x8c: {  	s17 =	sshll.u32 s0, $0xA;
	s2 =	sadd.s32 s3, s2  }
0x8d: {  	s2 =	sadd.s32 s2, s17  }
0x8e: {  	[smem:$0x3FC2] =	sst s2  }
0x8f: {  	_ = 	snop  }
0x90: {  	s2 =	sld [smem:$0x3FD0];
	(tm) =	ssettm $0x1  }
0x91: {  	s18 =	sld [smem:$0x3FFB];
	_ =	sdelay $0x3  }
0x92: {  	_ =	strace s18  }
0x93: {  	s3 =	sld [smem:$0x3FFC];
	_ =	sdelay $0x3  }
0x94: {  	_ =	strace s3  }
0x95: {  	s3 =	sld [smem:$0x3FFD];
	_ =	sdelay $0x3  }
0x96: {  	_ =	strace s3  }
0x97: {  	_ =	strace $0x8FFFFFFF  }
0x98: {  	s19 =	sld [smem:$0x3FDB];
	_ =	sdelay $0x1  }
0x99: {  	s4 =	simm.s32 $_scs_section_size  }
0x9a: {  	s5 =	simm.s32 $_size__tile_overlayer_lowered;
	s6 =	simm.s32 $_tile_overlayer_lowered  }
0x9b: {  	s22 =	simm.s32 $0x1BFF;
	s21 =	sshll.u32 s6, $0x1;
	s3 =	sadd.s32 s4, s19  }
0x9c: {  	s7 =	simm.s32 $0x0;
	s20 =	sshll.u32 s5, $0x1;
	s5 =	sadd.s32 s21, s3  }
0x9d: {  	[timem:s7], [sflag:s22] =	dma.local [hbm:s5], s20  }
0x9e: {  	_ =	swait.ge [sflag:s22], s20  }
0x9f: {  	s4 =	ssub.s32 $0x0, s20;
	[sflag:s22] =	ssyncset.done $0x0  }
0xa0: {  	[sflag:s22] =	ssyncadd.s32 s4;
	_ =	sdelay $0x1  }
0xa1: {  	s23 =	simm.s32 $0x1B8B  }
0xa2: {  	_ =	swait.ge [sflag:s23], $0x1  }
0xa3: {  	[sflag:s23] =	ssyncset.done $0x0  }
0xa4: {  	s25 =	simm.s32 $0x1B8E;
	s24 =	sld [smem:$0x3FFE];
	[sflag:s23] =	ssyncadd.s32 $0xFFFFFFFF  }
0xa5: {  	s26 =	simm.s32 $execute0_lowered;
	[smem:$0x3FD2] =	sst s25  }
0xa6: {  	s5 =	sshll.u32 s26, $0x1;
	_ =	strace $0x8000004C;
	[dreg:$0x1] =	wrdreg $0xFFFFFFFF  }
0xa7: {  	s28 =	simm.s32 $_size_execute0_lowered;
	s3 =	sadd.s32 s3, s5;
	[dreg:$0x0] =	wrdreg $0x0  }
0xa8: {  	s5 =	sshll.u32 s28, $0x1;
	[dreg:$0x2] =	wrdreg s3  }
0xa9: {  	[dreg:$0x3] =	wrdreg s5  }
0xaa: {  	[dreg:$0x4] =	wrdreg $0xC0  }
0xab: {  	_ =	task [dreg:s7], $0x5FFFF  }
0xac: {  	[dreg:$0x1] =	wrdreg $0xFFFFFFFF  }
0xad: {  	[dreg:$0x0] =	wrdreg $0x60  }
0xae: {  	[dreg:$0x2] =	wrdreg s24  }
0xaf: {  	[dreg:$0x3] =	wrdreg s2  }
0xb0: {  	[dreg:$0x4] =	wrdreg $0xA0000  }
0xb1: {  	[dreg:$0x5] =	wrdreg $0x9  }
0xb2: {  	_ =	task.clear_ibuf [dreg:s7], $0x6FFFF;
	_ =	strace $0x9000004C  }
0xb3: {  	s29 =	simm.s32 $0x9;
	_ =	strace $0x8000004E  }
0xb4: {  	_ =	swait.ge [sflag:s29], $0x1  }
0xb5: {  	[sflag:s29] =	ssyncadd.s32 $0xFFFFFFFF  }
0xb6: {  	_ =	strace $0x9000004E  }
0xb7: {  	_ =	sfence  }
0xb8: {  	s30 =	sld [smem:$0x0];
	_ =	sdelay $0x2  }
0xb9: {  	s31 =	sshll.u32 s1, $0xD;
	s1 =	sshrl.u32 s1, $0x2  }
0xba: {  	s3 =	sand.u32 $0x4000, s31;
	s1 =	sadd.s32 s1, s30  }
0xbb: {  	s0 =	sor.u32 s3, s0;
	s1 =	sshll.u32 s1, $0x11  }
0xbc: {  	s0 =	sor.u32 s1, s0  }
0xbd: {  	s0 =	sadd.s32 $0x8F2B, s0  }
0xbe: {  	[sflag:s0] =	ssyncadd.remote.s32 $0x1  }
0xbf: {  	_ =	sfence.sel $0xFFFF  }
0xc0: {  	[dreg:$0x0] =	wrdreg $0xFFFFFFFF;
	(pc) =	sbr.abs _section_cstart, $3  }
0xc1: {  	[dreg:$0x1] =	wrdreg $0xFFFFFFFF  }
0xc2: {  	_ =	task.clear_ibuf [dreg:s7], $0x2FFFF;
	_ =	strace $0x9FFFFFFF  }
0xc3: {  	(tm) =	ssettm $0x7FFFFFFF  }
tec
execute0_lowered:
.L_overlay_start_1:
0x0: {  	(tag) =	ssettag $0x1  }
0x1: {  	s8 =	rddreg [dreg:$0x0]  }
0x2: {  	s2 =	rddreg [dreg:$0x1]  }
0x3: {  	s3 =	rddreg [dreg:$0x2]  }
0x4: {  	s0 =	rddreg [dreg:$0x3]  }
0x5: {  	s4 =	simm.s32 $0x0;
	s1 =	stileid.u32;
	s5 =	srdreg.scid  }
0x6: {  	s16 =	simm.s32 $0x1000;
	s17 =	simm.s32 $0x1;
	s18 =	simm.s32 $0x80  }
0x7: {  	s19 =	simm.s32 $0x2000;
	s20 =	simm.s32 $0x6000;
	s21 =	simm.s32 $0x2  }
0x8: {  	s22 =	simm.s32 $0x0;
	[smem:$0x7FF] =	sst s4;
	s7 =	smul.u32 $0x13C00, s1  }
0x9: {  	s9 =	sand.u32 $0x1, s5;
	s5 =	sadd.s32 $0xCA00, s8;
	s12 =	smul.u32 $0x4F000, s1  }
0xa: {  	s6 =	sadd.s32 $0x2A00, s8;
	s30 =	sshll.u32 s1, $0x6;
	s10 =	smul.u32 $0x13C000, s9  }
0xb: {  	_ =	strace $0x8000004D;
	s28 =	sshll.u32 s9, $0x4;
	s9 =	ssub.s32 $0x2, s9  }
0xc: {  	s11 =	sshrl.u32 s7, $0x3;
	s7 =	sadd.s32 s7, s10;
	s10 =	sor.u32 s1, s28  }
0xd: {  	s14 =	sshrl.u32 s9, $0x1;
	s13 =	sshrl.u32 s7, $0x3;
	s7 =	smul.u32 $0x2800, s10  }
.Ltmp0:
0xe: {  	s29 =	sshrl.u32 s12, $0x2;
	s11 =	sadd.s32 s11, s8;
	(pc) =	sbr.rel .LBB2_1-.Ltmp0, $4  }
0xf: {  	s14 =	ssub.s32 s9, s14;
	s15 =	sadd.s32 s29, s3;
	s9 =	sor.u32 $0x1C05, s30  }
0x10: {  	s13 =	sadd.s32 s13, s8;
	s8 =	sadd.s32 $0x16A00, s11;
	s31 =	sshrl.u32 s7, $0x3  }
0x11: {  	s12 =	sadd.s32 $0x3E200, s13;
	s13 =	smax.u32 s14, $0x1;
	s14 =	sshrl.u32 s15, $0x3  }
0x12: {  	s15 =	simm.s32 $0x5;
	s10 =	sadd.s32 s5, s31;
	s11 =	sadd.s32 s6, s31  }
.LBB2_5:
0x13: {  	s22 =	sadd.s32 $0x1, s22  }
0x14: {  	p0 =	sne.s32 s22, s13  }
.Ltmp1:
0x15: {  	[bflag:$0x0] =	sbarrier.arrive $0xFFFF;
	(pc) =	sbr.rel @!p0 .LBB2_6-.Ltmp1, $4  }
0x16: {  	[hbm:s12], [sflag:s9] =	dma.local [spmem:s14], $0x2780  }
0x17: {  	_ =	swait.ge [sflag:s15], $0x2780  }
0x18: {  	[sflag:s15] =	ssyncset.done $0x0  }
0x19: {  	[sflag:s15] =	ssyncadd.s32 $0xFFFFD880  }
.LBB2_1:
0x1a: {  	[spmem:s14], [sflag:s9] =	dma.local [hbm:s8], $0x2780  }
0x1b: {  	_ =	swait.ge [sflag:s15], $0x2780  }
0x1c: {  	[sflag:s15] =	ssyncset.done $0x0  }
0x1d: {  	[sflag:s15] =	ssyncadd.s32 $0xFFFFD880  }
0x1e: {  	[tilespmem:s4], [sflag:$0x5] =	stream.linear.gather [hbm4b:s10+s4], $0x800, $0x38;
	[tilespmem:$0x1DC00] =	vst v63  }
0x1f: {  	_ =	swait.ge [sflag:s15], $0x800  }
0x20: {  	[sflag:s15] =	ssyncset.done $0x0  }
0x21: {  	[sflag:s15] =	ssyncadd.s32 $0xFFFFF800  }
0x22: {  	[tilespmem:s16], [sflag:$0x5] =	stream.linear.gather [hbm4b:s11+s4], $0x800, $0x38;
	[tilespmem:$0x1DC00] =	vst v63  }
.Ltmp2:
0x23: {  	_ =	swait.ge [sflag:s15], $0x800;
	(pc) =	sbr.rel .LBB2_2-.Ltmp2, $4  }
0x24: {  	[sflag:s15] =	ssyncset.done $0x0  }
0x25: {  	[sflag:s15] =	ssyncadd.s32 $0xFFFFF800  }
0x26: {  	[bflag:$0x0] =	sbarrier.arrive $0xFFFF  }
0x27: {  	s24 =	simm.s32 $0x0  }
.LBB2_4:
0x28: {  	s24 =	sshll.u32 s24, $0xB  }
0x29: {  	s24 =	sand.u32 $0x800, s24  }
0x2a: {  	[tilespmem:s19], [sflag:$0x1] =	stream.indirect.gather [hbm4b:s2+s18], $0x80, s24, s18, $0xb8;
	[tilespmem:$0x1DC00] =	vst v63  }
0x2b: {  	s25 =	sor.u32 $0x80, s24  }
0x2c: {  	[tilespmem:s20], [sflag:$0x2] =	stream.indirect.gather [hbm4b:s2+s18], $0x80, s25, s18, $0xb8;
	[tilespmem:$0x1DC00] =	vst v63  }
0x2d: {  	_ =	swait.ge [sflag:s17], $0x4000  }
0x2e: {  	[sflag:s17] =	ssyncset.done $0x0  }
0x2f: {  	s28 =	sor.u32 $0x1000, s24;
	[sflag:s17] =	ssyncadd.s32 $0xFFFFC000  }
0x30: {  	[spmem:s3] =	stream.indirect.scatter.add.f32 [tilespmem:s19], [sflag:$0x5], $0x80, s28, s18, $0xb8;
	[tilespmem:$0x1DC00] =	vst v63  }
0x31: {  	_ =	swait.ge [sflag:s15], $0x4000  }
0x32: {  	[sflag:s15] =	ssyncset.done $0x0  }
0x33: {  	s29 =	sor.u32 $0x100, s24;
	[sflag:s15] =	ssyncadd.s32 $0xFFFFC000  }
0x34: {  	[tilespmem:s19], [sflag:$0x1] =	stream.indirect.gather [hbm4b:s2+s18], $0x80, s29, s18, $0xb8;
	[tilespmem:$0x1DC00] =	vst v63  }
0x35: {  	_ =	swait.ge [sflag:s21], $0x4000  }
0x36: {  	[sflag:s21] =	ssyncset.done $0x0  }
0x37: {  	s30 =	sor.u32 $0x1080, s24;
	[sflag:s21] =	ssyncadd.s32 $0xFFFFC000  }
0x38: {  	[spmem:s3] =	stream.indirect.scatter.add.f32 [tilespmem:s20], [sflag:$0x5], $0x80, s30, s18, $0xb8;
	[tilespmem:$0x1DC00] =	vst v63  }
0x39: {  	_ =	swait.ge [sflag:s15], $0x4000  }
0x3a: {  	[sflag:s15] =	ssyncset.done $0x0  }
0x3b: {  	s31 =	sor.u32 $0x180, s24;
	[sflag:s15] =	ssyncadd.s32 $0xFFFFC000  }
0x3c: {  	[tilespmem:s20], [sflag:$0x2] =	stream.indirect.gather [hbm4b:s2+s18], $0x80, s31, s18, $0xb8;
	[tilespmem:$0x1DC00] =	vst v63  }
0x3d: {  	_ =	swait.ge [sflag:s17], $0x4000  }
0x3e: {  	[sflag:s17] =	ssyncset.done $0x0  }
0x3f: {  	s26 =	sor.u32 $0x1100, s24;
	[sflag:s17] =	ssyncadd.s32 $0xFFFFC000  }
0x40: {  	[spmem:s3] =	stream.indirect.scatter.add.f32 [tilespmem:s19], [sflag:$0x5], $0x80, s26, s18, $0xb8;
	[tilespmem:$0x1DC00] =	vst v63  }
0x41: {  	_ =	swait.ge [sflag:s15], $0x4000  }
0x42: {  	[sflag:s15] =	ssyncset.done $0x0  }
0x43: {  	s28 =	sor.u32 $0x200, s24;
	[sflag:s15] =	ssyncadd.s32 $0xFFFFC000  }
0x44: {  	[tilespmem:s19], [sflag:$0x1] =	stream.indirect.gather [hbm4b:s2+s18], $0x80, s28, s18, $0xb8;
	[tilespmem:$0x1DC00] =	vst v63  }
0x45: {  	_ =	swait.ge [sflag:s21], $0x4000  }
0x46: {  	[sflag:s21] =	ssyncset.done $0x0  }
0x47: {  	s29 =	sor.u32 $0x1180, s24;
	[sflag:s21] =	ssyncadd.s32 $0xFFFFC000  }
0x48: {  	[spmem:s3] =	stream.indirect.scatter.add.f32 [tilespmem:s20], [sflag:$0x5], $0x80, s29, s18, $0xb8;
	[tilespmem:$0x1DC00] =	vst v63  }
0x49: {  	_ =	swait.ge [sflag:s15], $0x4000  }
0x4a: {  	[sflag:s15] =	ssyncset.done $0x0  }
0x4b: {  	s30 =	sor.u32 $0x280, s24;
	[sflag:s15] =	ssyncadd.s32 $0xFFFFC000  }
0x4c: {  	[tilespmem:s20], [sflag:$0x2] =	stream.indirect.gather [hbm4b:s2+s18], $0x80, s30, s18, $0xb8;
	[tilespmem:$0x1DC00] =	vst v63  }
0x4d: {  	_ =	swait.ge [sflag:s17], $0x4000  }
0x4e: {  	[sflag:s17] =	ssyncset.done $0x0  }
0x4f: {  	s31 =	sor.u32 $0x1200, s24;
	[sflag:s17] =	ssyncadd.s32 $0xFFFFC000  }
0x50: {  	[spmem:s3] =	stream.indirect.scatter.add.f32 [tilespmem:s19], [sflag:$0x5], $0x80, s31, s18, $0xb8;
	[tilespmem:$0x1DC00] =	vst v63  }
0x51: {  	_ =	swait.ge [sflag:s15], $0x4000  }
0x52: {  	[sflag:s15] =	ssyncset.done $0x0  }
0x53: {  	s26 =	sor.u32 $0x300, s24;
	[sflag:s15] =	ssyncadd.s32 $0xFFFFC000  }
0x54: {  	[tilespmem:s19], [sflag:$0x1] =	stream.indirect.gather [hbm4b:s2+s18], $0x80, s26, s18, $0xb8;
	[tilespmem:$0x1DC00] =	vst v63  }
0x55: {  	_ =	swait.ge [sflag:s21], $0x4000  }
0x56: {  	[sflag:s21] =	ssyncset.done $0x0  }
0x57: {  	s28 =	sor.u32 $0x1280, s24;
	[sflag:s21] =	ssyncadd.s32 $0xFFFFC000  }
0x58: {  	[spmem:s3] =	stream.indirect.scatter.add.f32 [tilespmem:s20], [sflag:$0x5], $0x80, s28, s18, $0xb8;
	[tilespmem:$0x1DC00] =	vst v63  }
0x59: {  	_ =	swait.ge [sflag:s15], $0x4000  }
0x5a: {  	[sflag:s15] =	ssyncset.done $0x0  }
0x5b: {  	s29 =	sor.u32 $0x380, s24;
	[sflag:s15] =	ssyncadd.s32 $0xFFFFC000  }
0x5c: {  	[tilespmem:s20], [sflag:$0x2] =	stream.indirect.gather [hbm4b:s2+s18], $0x80, s29, s18, $0xb8;
	[tilespmem:$0x1DC00] =	vst v63  }
0x5d: {  	_ =	swait.ge [sflag:s17], $0x4000  }
0x5e: {  	[sflag:s17] =	ssyncset.done $0x0  }
0x5f: {  	s30 =	sor.u32 $0x1300, s24;
	[sflag:s17] =	ssyncadd.s32 $0xFFFFC000  }
0x60: {  	[spmem:s3] =	stream.indirect.scatter.add.f32 [tilespmem:s19], [sflag:$0x5], $0x80, s30, s18, $0xb8;
	[tilespmem:$0x1DC00] =	vst v63  }
0x61: {  	_ =	swait.ge [sflag:s15], $0x4000  }
0x62: {  	[sflag:s15] =	ssyncset.done $0x0  }
0x63: {  	s31 =	sor.u32 $0x400, s24;
	[sflag:s15] =	ssyncadd.s32 $0xFFFFC000  }
0x64: {  	[tilespmem:s19], [sflag:$0x1] =	stream.indirect.gather [hbm4b:s2+s18], $0x80, s31, s18, $0xb8;
	[tilespmem:$0x1DC00] =	vst v63  }
0x65: {  	_ =	swait.ge [sflag:s21], $0x4000  }
0x66: {  	[sflag:s21] =	ssyncset.done $0x0  }
0x67: {  	s26 =	sor.u32 $0x1380, s24;
	[sflag:s21] =	ssyncadd.s32 $0xFFFFC000  }
0x68: {  	[spmem:s3] =	stream.indirect.scatter.add.f32 [tilespmem:s20], [sflag:$0x5], $0x80, s26, s18, $0xb8;
	[tilespmem:$0x1DC00] =	vst v63  }
0x69: {  	_ =	swait.ge [sflag:s15], $0x4000  }
0x6a: {  	[sflag:s15] =	ssyncset.done $0x0  }
0x6b: {  	s28 =	sor.u32 $0x480, s24;
	[sflag:s15] =	ssyncadd.s32 $0xFFFFC000  }
0x6c: {  	[tilespmem:s20], [sflag:$0x2] =	stream.indirect.gather [hbm4b:s2+s18], $0x80, s28, s18, $0xb8;
	[tilespmem:$0x1DC00] =	vst v63  }
0x6d: {  	_ =	swait.ge [sflag:s17], $0x4000  }
0x6e: {  	[sflag:s17] =	ssyncset.done $0x0  }
0x6f: {  	s29 =	sor.u32 $0x1400, s24;
	[sflag:s17] =	ssyncadd.s32 $0xFFFFC000  }
0x70: {  	[spmem:s3] =	stream.indirect.scatter.add.f32 [tilespmem:s19], [sflag:$0x5], $0x80, s29, s18, $0xb8;
	[tilespmem:$0x1DC00] =	vst v63  }
0x71: {  	_ =	swait.ge [sflag:s15], $0x4000  }
0x72: {  	[sflag:s15] =	ssyncset.done $0x0  }
0x73: {  	s30 =	sor.u32 $0x500, s24;
	[sflag:s15] =	ssyncadd.s32 $0xFFFFC000  }
0x74: {  	[tilespmem:s19], [sflag:$0x1] =	stream.indirect.gather [hbm4b:s2+s18], $0x80, s30, s18, $0xb8;
	[tilespmem:$0x1DC00] =	vst v63  }
0x75: {  	_ =	swait.ge [sflag:s21], $0x4000  }
0x76: {  	[sflag:s21] =	ssyncset.done $0x0  }
0x77: {  	s31 =	sor.u32 $0x1480, s24;
	[sflag:s21] =	ssyncadd.s32 $0xFFFFC000  }
0x78: {  	[spmem:s3] =	stream.indirect.scatter.add.f32 [tilespmem:s20], [sflag:$0x5], $0x80, s31, s18, $0xb8;
	[tilespmem:$0x1DC00] =	vst v63  }
0x79: {  	_ =	swait.ge [sflag:s15], $0x4000  }
0x7a: {  	[sflag:s15] =	ssyncset.done $0x0  }
0x7b: {  	s26 =	sor.u32 $0x580, s24;
	[sflag:s15] =	ssyncadd.s32 $0xFFFFC000  }
0x7c: {  	[tilespmem:s20], [sflag:$0x2] =	stream.indirect.gather [hbm4b:s2+s18], $0x80, s26, s18, $0xb8;
	[tilespmem:$0x1DC00] =	vst v63  }
0x7d: {  	_ =	swait.ge [sflag:s17], $0x4000  }
0x7e: {  	[sflag:s17] =	ssyncset.done $0x0  }
0x7f: {  	s28 =	sor.u32 $0x1500, s24;
	[sflag:s17] =	ssyncadd.s32 $0xFFFFC000  }
0x80: {  	[spmem:s3] =	stream.indirect.scatter.add.f32 [tilespmem:s19], [sflag:$0x5], $0x80, s28, s18, $0xb8;
	[tilespmem:$0x1DC00] =	vst v63  }
0x81: {  	_ =	swait.ge [sflag:s15], $0x4000  }
0x82: {  	[sflag:s15] =	ssyncset.done $0x0  }
0x83: {  	s29 =	sor.u32 $0x600, s24;
	[sflag:s15] =	ssyncadd.s32 $0xFFFFC000  }
0x84: {  	[tilespmem:s19], [sflag:$0x1] =	stream.indirect.gather [hbm4b:s2+s18], $0x80, s29, s18, $0xb8;
	[tilespmem:$0x1DC00] =	vst v63  }
0x85: {  	_ =	swait.ge [sflag:s21], $0x4000  }
0x86: {  	[sflag:s21] =	ssyncset.done $0x0  }
0x87: {  	s30 =	sor.u32 $0x1580, s24;
	[sflag:s21] =	ssyncadd.s32 $0xFFFFC000  }
0x88: {  	[spmem:s3] =	stream.indirect.scatter.add.f32 [tilespmem:s20], [sflag:$0x5], $0x80, s30, s18, $0xb8;
	[tilespmem:$0x1DC00] =	vst v63  }
0x89: {  	_ =	swait.ge [sflag:s15], $0x4000  }
0x8a: {  	[sflag:s15] =	ssyncset.done $0x0  }
0x8b: {  	s31 =	sor.u32 $0x680, s24;
	[sflag:s15] =	ssyncadd.s32 $0xFFFFC000  }
0x8c: {  	[tilespmem:s20], [sflag:$0x2] =	stream.indirect.gather [hbm4b:s2+s18], $0x80, s31, s18, $0xb8;
	[tilespmem:$0x1DC00] =	vst v63  }
0x8d: {  	_ =	swait.ge [sflag:s17], $0x4000  }
0x8e: {  	[sflag:s17] =	ssyncset.done $0x0  }
0x8f: {  	s26 =	sor.u32 $0x1600, s24;
	[sflag:s17] =	ssyncadd.s32 $0xFFFFC000  }
0x90: {  	[spmem:s3] =	stream.indirect.scatter.add.f32 [tilespmem:s19], [sflag:$0x5], $0x80, s26, s18, $0xb8;
	[tilespmem:$0x1DC00] =	vst v63  }
0x91: {  	_ =	swait.ge [sflag:s15], $0x4000  }
0x92: {  	[sflag:s15] =	ssyncset.done $0x0  }
0x93: {  	s28 =	sor.u32 $0x700, s24;
	[sflag:s15] =	ssyncadd.s32 $0xFFFFC000  }
0x94: {  	[tilespmem:s19], [sflag:$0x1] =	stream.indirect.gather [hbm4b:s2+s18], $0x80, s28, s18, $0xb8;
	[tilespmem:$0x1DC00] =	vst v63  }
0x95: {  	_ =	swait.ge [sflag:s21], $0x4000  }
0x96: {  	[sflag:s21] =	ssyncset.done $0x0  }
0x97: {  	s29 =	sor.u32 $0x1680, s24;
	[sflag:s21] =	ssyncadd.s32 $0xFFFFC000  }
0x98: {  	[spmem:s3] =	stream.indirect.scatter.add.f32 [tilespmem:s20], [sflag:$0x5], $0x80, s29, s18, $0xb8;
	[tilespmem:$0x1DC00] =	vst v63  }
0x99: {  	_ =	swait.ge [sflag:s15], $0x4000  }
0x9a: {  	[sflag:s15] =	ssyncset.done $0x0  }
0x9b: {  	s30 =	sor.u32 $0x780, s24;
	[sflag:s15] =	ssyncadd.s32 $0xFFFFC000  }
0x9c: {  	[tilespmem:s20], [sflag:$0x2] =	stream.indirect.gather [hbm4b:s2+s18], $0x80, s30, s18, $0xb8;
	[tilespmem:$0x1DC00] =	vst v63  }
0x9d: {  	_ =	swait.ge [sflag:s17], $0x4000  }
0x9e: {  	[sflag:s17] =	ssyncset.done $0x0  }
0x9f: {  	s31 =	sor.u32 $0x1700, s24;
	[sflag:s17] =	ssyncadd.s32 $0xFFFFC000  }
0xa0: {  	[spmem:s3] =	stream.indirect.scatter.add.f32 [tilespmem:s19], [sflag:$0x5], $0x80, s31, s18, $0xb8;
	[tilespmem:$0x1DC00] =	vst v63  }
0xa1: {  	_ =	swait.ge [sflag:s15], $0x4000  }
0xa2: {  	[sflag:s15] =	ssyncset.done $0x0  }
0xa3: {  	[sflag:s15] =	ssyncadd.s32 $0xFFFFC000  }
0xa4: {  	_ =	swait.ge [sflag:s21], $0x4000  }
0xa5: {  	p0 =	slt.u32 s23, $0x5;
	[sflag:s21] =	ssyncset.done $0x0  }
.Ltmp3:
0xa6: {  	s24 =	sor.u32 $0x1780, s24;
	[sflag:s21] =	ssyncadd.s32 $0xFFFFC000;
	(pc) =	sbr.rel @!p0 .LBB2_5-.Ltmp3, $4  }
0xa7: {  	[spmem:s3] =	stream.indirect.scatter.add.f32 [tilespmem:s20], [sflag:$0x5], $0x80, s24, s18, $0xb8;
	[tilespmem:$0x1DC00] =	vst v63  }
0xa8: {  	_ =	swait.ge [sflag:s15], $0x4000  }
0xa9: {  	[sflag:s15] =	ssyncset.done $0x0  }
0xaa: {  	s24 =	smov.u32 s23;
	[sflag:s15] =	ssyncadd.s32 $0xFFFFC000  }
.LBB2_2:
0xab: {  	p0 =	seq.s32 s24, $0x0  }
0xac: {  	s23 =	simm.s32 @!p0 $0x3;
	p1 =	seq.s32 @!p0 s24, $0x4  }
0xad: {  	_ =	swait.ge @!p0 [sflag:s23], $0x800;
	p1 =	por p0, !p1  }
.Ltmp4:
0xae: {  	[sflag:s23] =	ssyncset.done @!p0 $0x0;
	(pc) =	sbr.rel @!p1 .LBB2_4-.Ltmp4, $4  }
0xaf: {  	[sflag:s23] =	ssyncadd.s32 @!p0 $0xFFFFF800;
	s23 =	simm.s32 @!p0 $0x4  }
0xb0: {  	_ =	swait.ge @!p0 [sflag:s23], $0x800  }
0xb1: {  	[sflag:s23] =	ssyncset.done @!p0 $0x0  }
0xb2: {  	[sflag:s23] =	ssyncadd.s32 @!p0 $0xFFFFF800;
	s23 =	simm.s32 @!p0 $0x5  }
0xb3: {  	s23 =	sadd.s32 @!p0 $0x1, s24  }
0xb4: {  	s23 =	simm.s32 @p0 $0x1  }
0xb5: {  	s25 =	sshll.u32 s23, $0xB  }
0xb6: {  	s26 =	sadd.s32 s7, s25  }
.Ltmp5:
0xb7: {  	s26 =	sshrl.u32 s26, $0x3;
	(pc) =	sbr.rel .LBB2_4-.Ltmp5, $4  }
0xb8: {  	s25 =	sand.u32 $0x800, s25;
	s28 =	sadd.s32 s5, s26  }
0xb9: {  	[tilespmem:s25], [sflag:$0x3] =	stream.linear.gather [hbm4b:s28+s4], $0x800, $0x38;
	[tilespmem:$0x1DC00] =	vst v63  }
0xba: {  	s26 =	sadd.s32 s6, s26;
	s25 =	sor.u32 $0x1000, s25  }
0xbb: {  	[tilespmem:s25], [sflag:$0x4] =	stream.linear.gather [hbm4b:s26+s4], $0x800, $0x38;
	[tilespmem:$0x1DC00] =	vst v63  }
.LBB2_6:
0xbc: {  	_ =	sfence.sel $0x180000  }
0xbd: {  	[bflag:$0x0] =	sbarrier.arrive $0xFFFF  }
0xbe: {  	p0 =	sne.s32 s1, $0x0;
	_ =	strace $0x9000004D  }
0xbf: {  	s0 =	sadd.s32 @!p0 $0x100000, s0;
	[bflag:$0x2] =	sbarrier.arrive $0xFFFF  }
0xc0: {  	[sflag:s0] =	ssyncadd.tile.s32 @!p0 $0x1;
	_ =	shalt  }
.Lfunc_end2:
_tile_overlayer_lowered:
.L_overlay_start_2:
0xc1: {  	(tag) =	ssettag $0x2  }
0xc2: {  	s0 =	rddreg [dreg:$0x0];
	s2 =	stileid.u32  }
0xc3: {  	s1 =	rddreg [dreg:$0x1];
	p0 =	sne.s32 s2, $0x0  }
0xc4: {  	s3 =	rddreg [dreg:$0x2];
	[bflag:$0x3] =	sbarrier.arrive $0xFFFF;
	s2 =	simm.s32 @!p0 $0x1C05  }
0xc5: {  	[timem:s3], [sflag:s2] =	dma.local @!p0 [hbm:s0], s1  }
0xc6: {  	s0 =	simm.s32 @!p0 $0x5  }
0xc7: {  	_ =	swait.ge @!p0 [sflag:s0], s1  }
0xc8: {  	s1 =	ssub.s32 @!p0 $0x0, s1;
	[sflag:s0] =	ssyncset.done @!p0 $0x0  }
0xc9: {  	[sflag:s0] =	ssyncadd.s32 @!p0 s1  }
0xca: {  	[bflag:$0x3] =	sbarrier.arrive $0xFFFF  }
0xcb: {  	_ =	shalt  }

// kernel: kernel.8.cloned.1.call-start
scs
__scs_entry_jumppad:
0x0: {  	(pc) =	sbr.rel $0x88, $3  }
0x1: {  	(tag) =	ssettag $0x0;
	lr =	simm.s32 $0x1  }
0x2: {  	[smem:$0x3F9B] =	sst lr;
	_ =	strace $0xD0000000  }
0x3: {  	_ = 	snop  }
0x4: {  	_ = 	snop  }
0x5: {  	_ = 	snop  }
0x6: {  	_ = 	snop  }
0x7: {  	_ = 	snop  }
__scs_overlays_trampoline_lowered:
0x8: {  	[smem:$0x3FAA] =	sst s0  }
0x9: {  	[smem:$0x3FAB] =	sst s1  }
0xa: {  	[smem:$0x3FAC] =	sst s2  }
0xb: {  	[smem:$0x3FAD] =	sst s3  }
0xc: {  	[smem:$0x3FAE] =	sst s4  }
0xd: {  	[smem:$0x3FAF] =	sst s5  }
0xe: {  	[smem:$0x3FB0] =	sst s6  }
0xf: {  	[smem:$0x3FB1] =	sst s7  }
0x10: {  	[smem:$0x3FB2] =	sst s8  }
0x11: {  	[smem:$0x3FB3] =	sst s9;
	s0 =	simm.s32 @!p0 $0x0  }
0x12: {  	s1 =	sld [smem:$0x3F99];
	s0 =	simm.s32 @p0 $0x1  }
0x13: {  	[smem:$0x3FB4] =	sst s0;
	s0 =	simm.s32 @!p1 $0x0  }
0x14: {  	s2 =	sld [smem:$0x3F98];
	s0 =	simm.s32 @p1 $0x1  }
0x15: {  	[smem:$0x3FB5] =	sst s0;
	s0 =	simm.s32 @!p2 $0x0  }
0x16: {  	s3 =	sld [smem:$0x3FDB];
	s0 =	simm.s32 @p2 $0x1  }
0x17: {  	s4 =	simm.s32 $0x1BF5;
	[smem:$0x3FB7] =	sst s0  }
0x18: {  	s0 =	sld [smem:$0x3F9A];
	_ =	swait.ge [sflag:s4], $0x0  }
0x19: {  	s7 =	sld [smem:$0x3F9B]  }
0x1a: {  	s8 =	sadd.s32 $0xFFFFE003, lr  }
0x1b: {  	s9 =	sadd.s32 $0xFFFFFEF7, lr;
	s5 =	simm.s32 $0xFFFFFFFF;
	p2 =	slt.u32 s8, $0xFFFFF086  }
0x1c: {  	p1 =	slt.u32 s9, $0xF7A;
	s5 =	simm.s32 @!p2 $0x0  }
0x1d: {  	s5 =	simm.s32 @p1 $0x1;
	p0 =	seq.s32 s7, s2  }
0x1e: {  	s7 =	smul.u32 @!p0 $0xF7A, s2;
	p2 =	seq.s32 @!p0 s5, $0x0  }
0x1f: {  	s9 =	smul.u32 $0xF7A, s1;
	s8 =	simm.s32 @!p0 $0x1BF5;
	p2 =	por !p2, p0  }
0x20: {  	[sflag:s8] =	ssyncset.s32 @!p0 $0xFFFFF086;
	s6 =	sadd.s32 @!p0 s3, s7;
	s7 =	simm.s32 @!p0 $0x108  }
0x21: {  	s3 =	sadd.s32 s3, s9;
	s6 =	sadd.s32 @!p0 $0x88, s6;
	s7 =	simm.s32 @p2 $0x1082  }
0x22: {  	[simem:s7], [sflag:s8] =	dma.local @!p0 [hbm:s6], $0xF7A  }
0x23: {  	s9 =	sor.u32 $0xD0000000, s2;
	s6 =	simm.s32 $0x108;
	_ =	swait.ge @!p0 [sflag:s8], $0x0  }
0x24: {  	s3 =	sadd.s32 $0x88, s3;
	s6 =	simm.s32 @!p1 $0x1082;
	[sflag:s4] =	ssyncset.s32 $0xFFFFF086  }
0x25: {  	[simem:s6], [sflag:s4] =	dma.local [hbm:s3], $0xF7A  }
0x26: {  	[smem:$0x3F9B] =	sst s1;
	(tag) =	ssettag s2;
	_ =	strace s9  }
0x27: {  	s1 =	sld [smem:$0x3FAB]  }
0x28: {  	s2 =	sld [smem:$0x3FAC]  }
0x29: {  	s4 =	sld [smem:$0x3FAE]  }
0x2a: {  	p0 =	seq.s32 s5, $0x0;
	s5 =	sld [smem:$0x3FAF]  }
0x2b: {  	s6 =	sld [smem:$0x3FB0]  }
0x2c: {  	s7 =	sld [smem:$0x3FB1]  }
0x2d: {  	s3 =	simm.s32 $0x108;
	s8 =	sld [smem:$0x3FB2]  }
0x2e: {  	s3 =	simm.s32 @!p0 $0x1082;
	s9 =	sld [smem:$0x3FB3]  }
0x2f: {  	lr =	sadd.s32 s0, s3;
	s0 =	sld [smem:$0x3FAA]  }
0x30: {  	s3 =	sld [smem:$0x3FAD]  }
0x31: {  	[smem:$0x3FB6] =	sst s10  }
0x32: {  	s10 =	sld [smem:$0x3FB4];
	_ =	sdelay $0x3  }
0x33: {  	p0 =	seq.s32 s10, $0x1;
	s10 =	sld [smem:$0x3FB6];
	_ =	sdelay $0x3  }
0x34: {  	[smem:$0x3FB6] =	sst s10  }
0x35: {  	s10 =	sld [smem:$0x3FB5];
	_ =	sdelay $0x3  }
0x36: {  	p1 =	seq.s32 s10, $0x1;
	s10 =	sld [smem:$0x3FB6];
	_ =	sdelay $0x3  }
0x37: {  	[smem:$0x3FB6] =	sst s10  }
0x38: {  	s10 =	sld [smem:$0x3FB7]  }
0x39: {  	_ = 	snop;
	(pc) =	sbr.ind lr, $3  }
0x3a: {  	_ = 	snop  }
0x3b: {  	_ = 	snop  }
0x3c: {  	p2 =	seq.s32 s10, $0x1;
	s10 =	sld [smem:$0x3FB6]  }
0x3d: {  	_ =	shalt  }
0x3e: {  	_ =	shalt  }
0x3f: {  	_ =	shalt  }
0x40: {  	_ =	shalt  }
0x41: {  	_ =	shalt  }
0x42: {  	_ =	shalt  }
0x43: {  	_ =	shalt  }
0x44: {  	_ =	shalt  }
0x45: {  	_ =	shalt  }
0x46: {  	_ =	shalt  }
0x47: {  	_ =	shalt  }
0x48: {  	_ =	shalt  }
0x49: {  	_ =	shalt  }
0x4a: {  	_ =	shalt  }
0x4b: {  	_ =	shalt  }
0x4c: {  	_ =	shalt  }
0x4d: {  	_ =	shalt  }
0x4e: {  	_ =	shalt  }
0x4f: {  	_ =	shalt  }
0x50: {  	_ =	shalt  }
0x51: {  	_ =	shalt  }
0x52: {  	_ =	shalt  }
0x53: {  	_ =	shalt  }
0x54: {  	_ =	shalt  }
0x55: {  	_ =	shalt  }
0x56: {  	_ =	shalt  }
0x57: {  	_ =	shalt  }
0x58: {  	_ =	shalt  }
0x59: {  	_ =	shalt  }
0x5a: {  	_ =	shalt  }
0x5b: {  	_ =	shalt  }
0x5c: {  	_ =	shalt  }
0x5d: {  	_ =	shalt  }
0x5e: {  	_ =	shalt  }
0x5f: {  	_ =	shalt  }
0x60: {  	_ =	shalt  }
0x61: {  	_ =	shalt  }
0x62: {  	_ =	shalt  }
0x63: {  	_ =	shalt  }
0x64: {  	_ =	shalt  }
0x65: {  	_ =	shalt  }
0x66: {  	_ =	shalt  }
0x67: {  	_ =	shalt  }
0x68: {  	_ =	shalt  }
0x69: {  	_ =	shalt  }
0x6a: {  	_ =	shalt  }
0x6b: {  	_ =	shalt  }
0x6c: {  	_ =	shalt  }
0x6d: {  	_ =	shalt  }
0x6e: {  	_ =	shalt  }
0x6f: {  	_ =	shalt  }
0x70: {  	_ =	shalt  }
0x71: {  	_ =	shalt  }
0x72: {  	_ =	shalt  }
0x73: {  	_ =	shalt  }
0x74: {  	_ =	shalt  }
0x75: {  	_ =	shalt  }
0x76: {  	_ =	shalt  }
0x77: {  	_ =	shalt  }
0x78: {  	_ =	shalt  }
0x79: {  	_ =	shalt  }
0x7a: {  	_ =	shalt  }
0x7b: {  	_ =	shalt  }
0x7c: {  	_ =	shalt  }
0x7d: {  	_ =	shalt  }
0x7e: {  	_ =	shalt  }
0x7f: {  	_ =	shalt  }
0x80: {  	_ =	shalt  }
0x81: {  	_ =	shalt  }
0x82: {  	_ =	shalt  }
0x83: {  	_ =	shalt  }
0x84: {  	_ =	shalt  }
0x85: {  	_ =	shalt  }
0x86: {  	_ =	shalt  }
0x87: {  	_ =	shalt  }
.Lfunc_end0:
.L_simem_size_0:
called_computation_lowered:
.L_overlay_start_0:
0x88: {  	s2 =	sld [smem:$0x3FD9]  }
0x89: {  	s3 =	sld [smem:$0x3FFE];
	_ =	sdelay $0x1  }
0x8a: {  	s1 =	srdreg.scid  }
0x8b: {  	s0 =	sand.u32 $0x1, s1  }
0x8c: {  	s17 =	sshll.u32 s0, $0xA;
	s2 =	sadd.s32 s3, s2  }
0x8d: {  	s2 =	sadd.s32 s2, s17  }
0x8e: {  	[smem:$0x3FC2] =	sst s2  }
0x8f: {  	_ = 	snop  }
0x90: {  	s2 =	sld [smem:$0x3FD0];
	(tm) =	ssettm $0x1  }
0x91: {  	s18 =	sld [smem:$0x3FFB];
	_ =	sdelay $0x3  }
0x92: {  	_ =	strace s18  }
0x93: {  	s3 =	sld [smem:$0x3FFC];
	_ =	sdelay $0x3  }
0x94: {  	_ =	strace s3  }
0x95: {  	s3 =	sld [smem:$0x3FFD];
	_ =	sdelay $0x3  }
0x96: {  	_ =	strace s3  }
0x97: {  	_ =	strace $0x8FFFFFFF  }
0x98: {  	s19 =	sld [smem:$0x3FDB];
	_ =	sdelay $0x1  }
0x99: {  	s4 =	simm.s32 $_scs_section_size  }
0x9a: {  	s5 =	simm.s32 $_size__tile_overlayer_lowered;
	s6 =	simm.s32 $_tile_overlayer_lowered  }
0x9b: {  	s22 =	simm.s32 $0x1BFF;
	s21 =	sshll.u32 s6, $0x1;
	s3 =	sadd.s32 s4, s19  }
0x9c: {  	s7 =	simm.s32 $0x0;
	s20 =	sshll.u32 s5, $0x1;
	s5 =	sadd.s32 s21, s3  }
0x9d: {  	[timem:s7], [sflag:s22] =	dma.local [hbm:s5], s20  }
0x9e: {  	_ =	swait.ge [sflag:s22], s20  }
0x9f: {  	s4 =	ssub.s32 $0x0, s20;
	[sflag:s22] =	ssyncset.done $0x0  }
0xa0: {  	[sflag:s22] =	ssyncadd.s32 s4;
	_ =	sdelay $0x1  }
0xa1: {  	s23 =	simm.s32 $0x1B8B  }
0xa2: {  	_ =	swait.ge [sflag:s23], $0x1  }
0xa3: {  	[sflag:s23] =	ssyncset.done $0x0  }
0xa4: {  	s25 =	simm.s32 $0x1B8E;
	s24 =	sld [smem:$0x3FFE];
	[sflag:s23] =	ssyncadd.s32 $0xFFFFFFFF  }
0xa5: {  	s26 =	simm.s32 $execute0_lowered;
	[smem:$0x3FD2] =	sst s25  }
0xa6: {  	s5 =	sshll.u32 s26, $0x1;
	_ =	strace $0x80000046;
	[dreg:$0x1] =	wrdreg $0xFFFFFFFF  }
0xa7: {  	s28 =	simm.s32 $_size_execute0_lowered;
	s3 =	sadd.s32 s3, s5;
	[dreg:$0x0] =	wrdreg $0x0  }
0xa8: {  	s5 =	sshll.u32 s28, $0x1;
	[dreg:$0x2] =	wrdreg s3  }
0xa9: {  	[dreg:$0x3] =	wrdreg s5  }
0xaa: {  	[dreg:$0x4] =	wrdreg $0xC0  }
0xab: {  	_ =	task [dreg:s7], $0x5FFFF  }
0xac: {  	[dreg:$0x1] =	wrdreg $0xFFFFFFFF  }
0xad: {  	[dreg:$0x0] =	wrdreg $0x60  }
0xae: {  	[dreg:$0x2] =	wrdreg s24  }
0xaf: {  	[dreg:$0x3] =	wrdreg s2  }
0xb0: {  	[dreg:$0x4] =	wrdreg $0x68000  }
0xb1: {  	[dreg:$0x5] =	wrdreg $0x9  }
0xb2: {  	_ =	task.clear_ibuf [dreg:s7], $0x6FFFF;
	_ =	strace $0x90000046  }
0xb3: {  	s29 =	simm.s32 $0x9;
	_ =	strace $0x80000048  }
0xb4: {  	_ =	swait.ge [sflag:s29], $0x1  }
0xb5: {  	[sflag:s29] =	ssyncadd.s32 $0xFFFFFFFF  }
0xb6: {  	_ =	strace $0x90000048  }
0xb7: {  	_ =	sfence  }
0xb8: {  	s30 =	sld [smem:$0x0];
	_ =	sdelay $0x2  }
0xb9: {  	s31 =	sshll.u32 s1, $0xD;
	s1 =	sshrl.u32 s1, $0x2  }
0xba: {  	s3 =	sand.u32 $0x4000, s31;
	s1 =	sadd.s32 s1, s30  }
0xbb: {  	s0 =	sor.u32 s3, s0;
	s1 =	sshll.u32 s1, $0x11  }
0xbc: {  	s0 =	sor.u32 s1, s0  }
0xbd: {  	s0 =	sadd.s32 $0x8F2B, s0  }
0xbe: {  	[sflag:s0] =	ssyncadd.remote.s32 $0x1  }
0xbf: {  	_ =	sfence.sel $0xFFFF  }
0xc0: {  	[dreg:$0x0] =	wrdreg $0xFFFFFFFF;
	(pc) =	sbr.abs _section_cstart, $3  }
0xc1: {  	[dreg:$0x1] =	wrdreg $0xFFFFFFFF  }
0xc2: {  	_ =	task.clear_ibuf [dreg:s7], $0x2FFFF;
	_ =	strace $0x9FFFFFFF  }
0xc3: {  	(tm) =	ssettm $0x7FFFFFFF  }
tec
execute0_lowered:
.L_overlay_start_1:
0x0: {  	(tag) =	ssettag $0x1  }
0x1: {  	s6 =	rddreg [dreg:$0x0]  }
0x2: {  	s2 =	rddreg [dreg:$0x1]  }
0x3: {  	s0 =	srdreg.scid;
	s3 =	rddreg [dreg:$0x2];
	s4 =	simm.s32 $0x0  }
0x4: {  	s13 =	simm.s32 $0x80;
	s5 =	sand.u32 $0x1, s0;
	s0 =	stileid.u32  }
0x5: {  	s14 =	simm.s32 $0x0;
	[smem:$0x7FF] =	sst s4;
	s8 =	smul.u32 $0x13C00, s0  }
0x6: {  	s1 =	sshll.u32 s5, $0x4;
	s9 =	smul.u32 $0x13C000, s5;
	s5 =	ssub.s32 $0x2, s5  }
0x7: {  	s29 =	smul.u32 $0x4F000, s0;
	s31 =	sshll.u32 s0, $0x6;
	s1 =	sor.u32 s0, s1  }
0x8: {  	s11 =	sshrl.u32 s5, $0x1;
	s7 =	smul.u32 $0x500, s1;
	s1 =	rddreg [dreg:$0x3]  }
0x9: {  	_ =	strace $0x80000047;
	s10 =	sshrl.u32 s8, $0x3;
	s8 =	sadd.s32 s8, s9  }
0xa: {  	s11 =	ssub.s32 s5, s11;
	s30 =	sshrl.u32 s29, $0x2;
	s10 =	sadd.s32 s10, s6  }
0xb: {  	s8 =	sshrl.u32 s8, $0x3;
	s12 =	sadd.s32 s30, s3;
	s9 =	smax.u32 s11, $0x1  }
0xc: {  	s11 =	simm.s32 $0x1;
	s7 =	sadd.s32 s7, s6;
	s8 =	sadd.s32 s8, s6  }
0xd: {  	s5 =	sadd.s32 $0x16A00, s10;
	s6 =	sor.u32 $0x1C01, s31;
	s10 =	sshrl.u32 s12, $0x3  }
0xe: {  	s12 =	simm.s32 $0x2800;
	s7 =	sadd.s32 $0x2A00, s7;
	s8 =	sadd.s32 $0x3E200, s8  }
.LBB2_1:
0xf: {  	[spmem:s10], [sflag:s6] =	dma.local [hbm:s5], $0x2780  }
0x10: {  	_ =	swait.ge [sflag:s11], $0x2780  }
0x11: {  	[sflag:s11] =	ssyncset.done $0x0  }
0x12: {  	[sflag:s11] =	ssyncadd.s32 $0xFFFFD880  }
0x13: {  	[tilespmem:s4], [sflag:$0x1] =	stream.linear.gather [hbm4b:s7+s4], $0x2800, $0x38;
	[tilespmem:$0x1A400] =	vst v63  }
0x14: {  	_ =	swait.ge [sflag:s11], $0x2800  }
0x15: {  	[sflag:s11] =	ssyncset.done $0x0  }
0x16: {  	[sflag:s11] =	ssyncadd.s32 $0xFFFFD800  }
0x17: {  	[tilespmem:s12], [sflag:$0x1] =	stream.linear.gather [hbm4b:s2+s4], $0x4000, $0x38;
	[tilespmem:$0x1A400] =	vst v63  }
0x18: {  	_ =	swait.ge [sflag:s11], $0x4000  }
0x19: {  	[sflag:s11] =	ssyncset.done $0x0  }
0x1a: {  	[sflag:s11] =	ssyncadd.s32 $0xFFFFC000  }
0x1b: {  	s15 =	simm.s32 $0x0;
	[bflag:$0x0] =	sbarrier.arrive $0xFFFF  }
0x1c: {  	[spmem:s3] =	stream.indirect.scatter.add.f32 [tilespmem:s12], [sflag:$0x1], $0x80, s15, s13, $0xb8;
	[tilespmem:$0x1A400] =	vst v63  }
0x1d: {  	_ =	swait.ge [sflag:s11], $0x4000  }
0x1e: {  	s15 =	simm.s32 $0x200;
	[sflag:s11] =	ssyncset.done $0x0  }
.LBB2_2:
0x1f: {  	s16 =	sshra.s32 s15, $0x2;
	[sflag:s11] =	ssyncadd.s32 $0xFFFFC000;
	p0 =	sne.s32 s15, $0x9E00  }
0x20: {  	[spmem:s3] =	stream.indirect.scatter.add.f32 [tilespmem:s12], [sflag:$0x1], $0x80, s16, s13, $0xb8;
	[tilespmem:$0x1A400] =	vst v63  }
.Ltmp0:
0x21: {  	_ = 	snop;
	(pc) =	sbr.rel @p0 .LBB2_2-.Ltmp0, $4  }
0x22: {  	_ = 	snop  }
0x23: {  	s15 =	sadd.s32 $0x200, s15  }
0x24: {  	_ =	swait.ge [sflag:s11], $0x4000  }
0x25: {  	[sflag:s11] =	ssyncset.done $0x0  }
0x26: {  	s14 =	sadd.s32 $0x1, s14  }
0x27: {  	[sflag:s11] =	ssyncadd.s32 $0xFFFFC000;
	p0 =	sne.s32 s14, s9  }
.Ltmp1:
0x28: {  	[bflag:$0x0] =	sbarrier.arrive $0xFFFF;
	(pc) =	sbr.rel @p0 .LBB2_1-.Ltmp1, $4  }
0x29: {  	[hbm:s8], [sflag:s6] =	dma.local [spmem:s10], $0x2780  }
0x2a: {  	_ =	swait.ge [sflag:s11], $0x2780  }
0x2b: {  	[sflag:s11] =	ssyncset.done $0x0  }
0x2c: {  	[sflag:s11] =	ssyncadd.s32 $0xFFFFD880  }
0x2d: {  	_ =	sfence.sel $0x180000  }
0x2e: {  	[bflag:$0x0] =	sbarrier.arrive $0xFFFF  }
0x2f: {  	p0 =	sne.s32 s0, $0x0;
	_ =	strace $0x90000047  }
0x30: {  	s0 =	sadd.s32 @!p0 $0x100000, s1;
	[bflag:$0x2] =	sbarrier.arrive $0xFFFF  }
0x31: {  	[sflag:s0] =	ssyncadd.tile.s32 @!p0 $0x1;
	_ =	shalt  }
.Lfunc_end2:
_tile_overlayer_lowered:
.L_overlay_start_2:
0x32: {  	(tag) =	ssettag $0x2  }
0x33: {  	s0 =	rddreg [dreg:$0x0];
	s2 =	stileid.u32  }
0x34: {  	s1 =	rddreg [dreg:$0x1];
	p0 =	sne.s32 s2, $0x0  }
0x35: {  	s3 =	rddreg [dreg:$0x2];
	[bflag:$0x3] =	sbarrier.arrive $0xFFFF;
	s2 =	simm.s32 @!p0 $0x1C01  }
0x36: {  	[timem:s3], [sflag:s2] =	dma.local @!p0 [hbm:s0], s1  }
0x37: {  	s0 =	simm.s32 @!p0 $0x1  }
0x38: {  	_ =	swait.ge @!p0 [sflag:s0], s1  }
0x39: {  	s1 =	ssub.s32 @!p0 $0x0, s1;
	[sflag:s0] =	ssyncset.done @!p0 $0x0  }
0x3a: {  	[sflag:s0] =	ssyncadd.s32 @!p0 s1  }
0x3b: {  	[bflag:$0x3] =	sbarrier.arrive $0xFFFF  }
0x3c: {  	_ =	shalt  }

</sc_bundles>
